<compile_context>
chip_gen: v7x
topology: tpu7x:2x2x1
jax: 0.10.2.dev20260603
libtpu: 0.0.44.dev20260713+nightly
codegen_flags: <defaults>
</compile_context>

<pallas_src>
import jax
import jax.numpy as jnp
from jax import lax
from jax.experimental import pallas as pl
from jax.experimental.pallas import tpu as pltpu
from jax.experimental.pallas import tpu_sc as plsc

N = 10000
E = 320000
D = 128
NG = 64
NC = 2
NS = 16
HD = D // NC

M_PAD = 20480
STRIPE = M_PAD // NS
DUMMY = 2 * N
CHUNK = 128
E_PAD = 323584
EC = E_PAD // CHUNK
K16 = EC // NS
K32 = EC // (NC * NS)

BR = 2000
NB = N // BR


def _idx_body(src_ref, dst_ref, w_ref, out_ref, in2_ref):
    src = src_ref[...]
    dst = dst_ref[...]
    w = w_ref[...]
    off = jnp.where(w < 0.0, N, 0).astype(jnp.int32)
    zero = w == 0.0
    ii = jnp.where(zero, 0, src + off)
    oo = jnp.where(zero, DUMMY, dst + off)
    out_ref[...] = oo
    in2_ref[0] = ii
    in2_ref[1] = ii + 2 * N


def _build_indices(srcp, dstp, wp):
    return pl.pallas_call(
        _idx_body,
        out_shape=[
            jax.ShapeDtypeStruct((EC, CHUNK), jnp.int32),
            jax.ShapeDtypeStruct((2, EC, CHUNK), jnp.int32),
        ],
    )(srcp, dstp, wp)


def _deg_body(out_idx_hbm, ones_hbm, zcol_hbm, deg_hbm, idx_vm, ones_vm, deg_sp):
    c = lax.axis_index("c")
    s = lax.axis_index("s")
    t = s * NC + c
    pltpu.sync_copy(out_idx_hbm.at[pl.ds(t * K32, K32)], idx_vm)
    pltpu.sync_copy(ones_hbm, ones_vm)
    pltpu.sync_copy(zcol_hbm, deg_sp.at[pl.ds(s * STRIPE, STRIPE)])
    plsc.subcore_barrier()

    def body(j, carry):
        pltpu.sync_copy(ones_vm, deg_sp.at[idx_vm.at[j]], add=True)
        return carry

    lax.fori_loop(0, K32, body, 0)
    plsc.subcore_barrier()
    pltpu.sync_copy(
        deg_sp.at[pl.ds(s * STRIPE, STRIPE)],
        deg_hbm.at[pl.ds(c * M_PAD + s * STRIPE, STRIPE)],
    )


DW = 16


def _degrees(out_idx, ones_col, zcol):
    mesh = plsc.VectorSubcoreMesh(core_axis_name="c", subcore_axis_name="s")
    f = pl.kernel(
        _deg_body,
        out_type=jax.ShapeDtypeStruct((NC * M_PAD, DW), jnp.float32),
        mesh=mesh,
        compiler_params=pltpu.CompilerParams(use_tc_tiling_on_sc=False),
        scratch_types=[
            pltpu.VMEM((K32, CHUNK), jnp.int32),
            pltpu.VMEM((CHUNK, DW), jnp.float32),
            pltpu.VMEM_SHARED((M_PAD, DW), jnp.float32),
        ],
    )
    return f(out_idx, ones_col, zcol)


KH = K16 // 2


def _edge_body(gtab_hbm, in_idx_hbm, out_idx_hbm, z64_hbm, agg_hbm,
               in_vm, out_vm, rb0, rb1, rb2, agg_sp,
               sg0, sg1, sg2, ss0, ss1, ss2):
    c = lax.axis_index("c")
    s = lax.axis_index("s")
    rbs = (rb0, rb1, rb2)
    sgs = (sg0, sg1, sg2)
    sss = (ss0, ss1, ss2)
    pltpu.sync_copy(z64_hbm, agg_sp.at[pl.ds(s * STRIPE, STRIPE)])
    plsc.subcore_barrier()

    def half(hf, carry):
        base = s * K16 + hf * KH
        pltpu.sync_copy(in_idx_hbm.at[pl.ds(c * EC + base, KH)], in_vm)
        pltpu.sync_copy(out_idx_hbm.at[pl.ds(base, KH)], out_vm)
        pltpu.async_copy(gtab_hbm.at[in_vm.at[0]], rb0, sg0)
        pltpu.async_copy(gtab_hbm.at[in_vm.at[1]], rb1, sg1)

        def body(j, carry2):
            nxt = j + 2
            for b in range(3):
                @pl.when(j % 3 == b)
                def _(b=b):
                    rb, sg, ss = rbs[b], sgs[b], sss[b]
                    b2 = (b + 2) % 3
                    pltpu.make_async_copy(
                        gtab_hbm.at[in_vm.at[j]], rb, sg).wait()
                    pltpu.async_copy(
                        rb, agg_sp.at[out_vm.at[j]], ss, add=True)

                    @pl.when(nxt < KH)
                    def _():
                        @pl.when(j >= 1)
                        def _():
                            pltpu.make_async_copy(
                                rbs[b2],
                                agg_sp.at[out_vm.at[j - 1]],
                                sss[b2]).wait()

                        pltpu.async_copy(
                            gtab_hbm.at[in_vm.at[nxt]], rbs[b2], sgs[b2])

            return carry2

        lax.fori_loop(0, KH, body, 0)
        for jj in (KH - 3, KH - 2, KH - 1):
            pltpu.make_async_copy(
                rbs[jj % 3], agg_sp.at[out_vm.at[jj]],
                sss[jj % 3]).wait()
        return carry

    lax.fori_loop(0, 2, half, 0)
    plsc.subcore_barrier()
    pltpu.sync_copy(
        agg_sp.at[pl.ds(s * STRIPE, STRIPE)],
        agg_hbm.at[pl.ds(c * M_PAD + s * STRIPE, STRIPE)],
    )


def _edge_pass(gtab64, in_idx_flat, out_idx, z64):
    mesh = plsc.VectorSubcoreMesh(core_axis_name="c", subcore_axis_name="s")
    f = pl.kernel(
        _edge_body,
        out_type=jax.ShapeDtypeStruct((NC * M_PAD, HD), jnp.float32),
        mesh=mesh,
        compiler_params=pltpu.CompilerParams(use_tc_tiling_on_sc=False),
        scratch_types=[
            pltpu.VMEM((KH, CHUNK), jnp.int32),
            pltpu.VMEM((KH, CHUNK), jnp.int32),
            pltpu.VMEM((CHUNK, HD), jnp.float32),
            pltpu.VMEM((CHUNK, HD), jnp.float32),
            pltpu.VMEM((CHUNK, HD), jnp.float32),
            pltpu.VMEM_SHARED((M_PAD, HD), jnp.float32),
            pltpu.SemaphoreType.DMA,
            pltpu.SemaphoreType.DMA,
            pltpu.SemaphoreType.DMA,
            pltpu.SemaphoreType.DMA,
            pltpu.SemaphoreType.DMA,
            pltpu.SemaphoreType.DMA,
        ],
    )
    return f(gtab64, in_idx_flat, out_idx, z64)


def _prep_body(x_ref, dpa_ref, dpb_ref, dna_ref, dnb_ref,
               dinvp_ref, dinvn_ref, gtab_ref):
    c = pl.program_id(0)
    p = pl.program_id(1)
    dp = lax.rsqrt(1.0 + dpa_ref[0][:, 0:1] + dpb_ref[0][:, 0:1])
    dn = lax.rsqrt(1.0 + dna_ref[0][:, 0:1] + dnb_ref[0][:, 0:1])
    dinvp_ref[...] = dp
    dinvn_ref[...] = dn
    x = x_ref[...]
    xh = jnp.where(c == 0, x[:, :HD], x[:, HD:])
    gtab_ref[...] = jnp.where(p == 0, dp, dn) * xh


def _prep(x, deg3):
    colp = pl.BlockSpec((1, BR, DW), lambda c, p, i: (0, i, 0))
    coln = pl.BlockSpec((1, BR, DW), lambda c, p, i: (0, NB + i, 0))
    colp2 = pl.BlockSpec((1, BR, DW), lambda c, p, i: (1, i, 0))
    coln2 = pl.BlockSpec((1, BR, DW), lambda c, p, i: (1, NB + i, 0))
    dspec = pl.BlockSpec((BR, 1), lambda c, p, i: (i, 0))
    xspec = pl.BlockSpec((BR, D), lambda c, p, i: (i, 0))
    gspec = pl.BlockSpec((BR, HD), lambda c, p, i: (c * 2 * NB + p * NB + i, 0))
    return pl.pallas_call(
        _prep_body,
        grid=(NC, 2, NB),
        in_specs=[xspec, colp, colp2, coln, coln2],
        out_specs=[dspec, dspec, gspec],
        out_shape=[
            jax.ShapeDtypeStruct((N, 1), jnp.float32),
            jax.ShapeDtypeStruct((N, 1), jnp.float32),
            jax.ShapeDtypeStruct((NC * 2 * N, HD), jnp.float32),
        ],
    )(x, deg3, deg3, deg3, deg3)


def _split_body(g_ref, o_ref):
    c = pl.program_id(0)
    g = g_ref[...]
    o_ref[...] = jnp.where(c == 0, g[:, :HD], g[:, HD:])


def _split(gfull):
    return pl.pallas_call(
        _split_body,
        grid=(NC, 2 * NB),
        in_specs=[pl.BlockSpec((BR, D), lambda c, i: (i, 0))],
        out_specs=pl.BlockSpec((BR, HD), lambda c, i: (c * 2 * NB + i, 0)),
        out_shape=jax.ShapeDtypeStruct((NC * 2 * N, HD), jnp.float32),
    )(gfull)


def _combine_body(aplo_ref, aphi_ref, anlo_ref, anhi_ref,
                  gplo_ref, gphi_ref, gnlo_ref, gnhi_ref,
                  dinvp_ref, dinvn_ref, wp_ref, bp_ref, wn_ref, bn_ref,
                  gtab_ref):
    p = pl.program_id(0)
    dp = dinvp_ref[...]
    dn = dinvn_ref[...]
    aggp = jnp.concatenate([aplo_ref[0], aphi_ref[0]], axis=1)
    aggn = jnp.concatenate([anlo_ref[0], anhi_ref[0]], axis=1)
    gp = jnp.concatenate([gplo_ref[0], gphi_ref[0]], axis=1)
    gn = jnp.concatenate([gnlo_ref[0], gnhi_ref[0]], axis=1)
    pre_p = dp * (aggp + gp)
    pre_n = dn * (aggn + gn)
    px = jnp.dot(pre_p, wp_ref[...], preferred_element_type=jnp.float32) + bp_ref[...]
    nx = jnp.dot(pre_n, wn_ref[...], preferred_element_type=jnp.float32) + bn_ref[...]
    h1 = jnp.maximum(px, 0.0) - jnp.maximum(nx, 0.0)
    gtab_ref[...] = jnp.where(p == 0, dp, dn) * h1


def _combine(agg3, gtab3, dinvp, dinvn, wp, bp, wn, bn):
    aplo = pl.BlockSpec((1, BR, HD), lambda p, i: (0, i, 0))
    aphi = pl.BlockSpec((1, BR, HD), lambda p, i: (1, i, 0))
    anlo = pl.BlockSpec((1, BR, HD), lambda p, i: (0, NB + i, 0))
    anhi = pl.BlockSpec((1, BR, HD), lambda p, i: (1, NB + i, 0))
    dspec = pl.BlockSpec((BR, 1), lambda p, i: (i, 0))
    wspec = pl.BlockSpec((D, D), lambda p, i: (0, 0))
    bspec = pl.BlockSpec((1, D), lambda p, i: (0, 0))
    gout = pl.BlockSpec((BR, D), lambda p, i: (p * NB + i, 0))
    return pl.pallas_call(
        _combine_body,
        grid=(2, NB),
        in_specs=[aplo, aphi, anlo, anhi, aplo, aphi, anlo, anhi,
                  dspec, dspec, wspec, bspec, wspec, bspec],
        out_specs=gout,
        out_shape=jax.ShapeDtypeStruct((2 * N, D), jnp.float32),
    )(agg3, agg3, agg3, agg3, gtab3, gtab3, gtab3, gtab3,
      dinvp, dinvn, wp, bp, wn, bn)


def _final_body(aplo_ref, aphi_ref, anlo_ref, anhi_ref, gp_ref, gn_ref,
                dinvp_ref, dinvn_ref, wp_ref, bp_ref, wn_ref, bn_ref,
                batch_ref, lng_ref, lnb_ref, out_ref, acc_ref, cnt_ref):
    i = pl.program_id(0)
    dp = dinvp_ref[...]
    dn = dinvn_ref[...]
    aggp = jnp.concatenate([aplo_ref[0], aphi_ref[0]], axis=1)
    aggn = jnp.concatenate([anlo_ref[0], anhi_ref[0]], axis=1)
    pre_p = dp * (aggp + gp_ref[...])
    pre_n = dn * (aggn + gn_ref[...])
    px = jnp.dot(pre_p, wp_ref[...], preferred_element_type=jnp.float32) + bp_ref[...]
    nx = jnp.dot(pre_n, wn_ref[...], preferred_element_type=jnp.float32) + bn_ref[...]
    h2 = jnp.maximum(px, 0.0) - jnp.maximum(nx, 0.0)

    b = batch_ref[...]
    onehot = (b == lax.broadcasted_iota(jnp.int32, (BR, NG), 1)).astype(jnp.float32)
    psum = lax.dot_general(onehot, h2, (((0,), (0,)), ((), ())),
                           preferred_element_type=jnp.float32)
    ones = jnp.ones((BR, 1), jnp.float32)
    csum = lax.dot_general(onehot, ones, (((0,), (0,)), ((), ())),
                           preferred_element_type=jnp.float32)

    @pl.when(i == 0)
    def _():
        acc_ref[...] = psum
        cnt_ref[...] = csum

    @pl.when(i > 0)
    def _():
        acc_ref[...] += psum
        cnt_ref[...] += csum

    @pl.when(i == pl.num_programs(0) - 1)
    def _():
        pooled = acc_ref[...] / jnp.maximum(cnt_ref[...], 1.0)
        mean = jnp.mean(pooled, axis=1, keepdims=True)
        var = jnp.mean((pooled - mean) ** 2, axis=1, keepdims=True)
        out_ref[...] = (lng_ref[...] * (pooled - mean)
                        * lax.rsqrt(var + 1e-5) + lnb_ref[...])


def _final(agg3, gtab1, dinvp, dinvn, wp, bp, wn, bn, batch_col, lng, lnb):
    aplo = pl.BlockSpec((1, BR, HD), lambda i: (0, i, 0))
    aphi = pl.BlockSpec((1, BR, HD), lambda i: (1, i, 0))
    anlo = pl.BlockSpec((1, BR, HD), lambda i: (0, NB + i, 0))
    anhi = pl.BlockSpec((1, BR, HD), lambda i: (1, NB + i, 0))
    gp = pl.BlockSpec((BR, D), lambda i: (i, 0))
    gn = pl.BlockSpec((BR, D), lambda i: (NB + i, 0))
    dspec = pl.BlockSpec((BR, 1), lambda i: (i, 0))
    wspec = pl.BlockSpec((D, D), lambda i: (0, 0))
    bspec = pl.BlockSpec((1, D), lambda i: (0, 0))
    ospec = pl.BlockSpec((NG, D), lambda i: (0, 0))
    return pl.pallas_call(
        _final_body,
        grid=(NB,),
        in_specs=[aplo, aphi, anlo, anhi, gp, gn, dspec, dspec,
                  wspec, bspec, wspec, bspec, dspec, bspec, bspec],
        out_specs=ospec,
        out_shape=jax.ShapeDtypeStruct((NG, D), jnp.float32),
        scratch_shapes=[
            pltpu.VMEM((NG, D), jnp.float32),
            pltpu.VMEM((NG, 1), jnp.float32),
        ],
    )(agg3, agg3, agg3, agg3, gtab1, gtab1, dinvp, dinvn,
      wp, bp, wn, bn, batch_col, lng, lnb)


def kernel(x, edge_index, edge_weight, batch,
           W_pos0, b_pos0, W_neg0, b_neg0,
           W_pos1, b_pos1, W_neg1, b_neg1, ln_g, ln_b):
    src = edge_index[0].astype(jnp.int32)
    dst = edge_index[1].astype(jnp.int32)
    padn = E_PAD - E
    zi = jnp.zeros((padn,), jnp.int32)
    srcp = jnp.concatenate([src, zi]).reshape(EC, CHUNK)
    dstp = jnp.concatenate([dst, zi]).reshape(EC, CHUNK)
    wpad = jnp.concatenate(
        [edge_weight, jnp.zeros((padn,), jnp.float32)]).reshape(EC, CHUNK)

    out_idx, in_idx2 = _build_indices(srcp, dstp, wpad)
    in_idx_flat = in_idx2.reshape(2 * EC, CHUNK)

    ones_col = jnp.ones((CHUNK, DW), jnp.float32)
    zcol = jnp.zeros((STRIPE, DW), jnp.float32)
    z64 = jnp.zeros((STRIPE, HD), jnp.float32)

    deg2 = _degrees(out_idx, ones_col, zcol)
    deg3 = deg2.reshape(NC, M_PAD, DW)

    dinvp, dinvn, gtab0sc = _prep(x, deg3)

    agg0 = _edge_pass(gtab0sc, in_idx_flat, out_idx, z64)
    gtab1 = _combine(agg0.reshape(NC, M_PAD, HD),
                     gtab0sc.reshape(NC, 2 * N, HD), dinvp, dinvn,
                     W_pos0, b_pos0.reshape(1, D), W_neg0, b_neg0.reshape(1, D))

    gtab1sc = _split(gtab1)
    agg1 = _edge_pass(gtab1sc, in_idx_flat, out_idx, z64)

    return _final(agg1.reshape(NC, M_PAD, HD), gtab1, dinvp, dinvn,
                  W_pos1, b_pos1.reshape(1, D), W_neg1, b_neg1.reshape(1, D),
                  batch.astype(jnp.int32).reshape(N, 1),
                  ln_g.reshape(1, D), ln_b.reshape(1, D))

# --- scband reference (transcript-rebuilt; emitter-appended) ---
"""Pipeline reference for scband-topology-encoder-sign-only-50800873177282 (READ-ONLY COPY).

The authoritative reference and input builder live on the scoring server;
editing this copy changes nothing except your own understanding.
"""

import jax, jax.numpy as jnp
import numpy as np

N_NODES = 10000
N_EDGES = 320000
D_IN = 128
D_HID = 128
N_GRAPHS = 64


def gcn_conv(x, src, dst, W, b, num_nodes, edge_mask):
    # PyG-style GCNConv with edge_weight=ones and symmetric normalization + self loops
    h = x @ W
    loop = jnp.arange(num_nodes)
    s = jnp.concatenate([src, loop])
    d = jnp.concatenate([dst, loop])
    ew = jnp.concatenate([edge_mask.astype(h.dtype), jnp.ones(num_nodes, dtype=h.dtype)])
    deg = jnp.zeros((num_nodes,), dtype=h.dtype).at[d].add(ew)
    dinv = jnp.where(deg > 0, jax.lax.rsqrt(deg), 0.0)
    norm = dinv[s] * ew * dinv[d]
    out = jnp.zeros((num_nodes, h.shape[1]), dtype=h.dtype).at[d].add(norm[:, None] * h[s])
    return out + b


def setup_inputs(seed: int = 0) -> dict:
    key = jax.random.key(seed)
    ks = jax.random.split(key, 16)
    x = jax.random.normal(ks[0], (N_NODES, D_IN), dtype=jnp.float32)
    edge_index = jax.random.randint(ks[1], (2, N_EDGES), 0, N_NODES)
    edge_weight = jax.random.normal(ks[2], (N_EDGES,), dtype=jnp.float32)
    batch = jnp.sort(jax.random.randint(ks[3], (N_NODES,), 0, N_GRAPHS))
    s_in = 1.0 / np.sqrt(D_IN)
    s_hid = 1.0 / np.sqrt(D_HID)
    inp = {
        'x': x,
        'edge_index': edge_index,
        'edge_weight': edge_weight,
        'batch': batch,
        'W_pos0': jax.random.normal(ks[4], (D_IN, D_HID), dtype=jnp.float32) * s_in,
        'b_pos0': jnp.zeros((D_HID,), dtype=jnp.float32),
        'W_neg0': jax.random.normal(ks[5], (D_IN, D_HID), dtype=jnp.float32) * s_in,
        'b_neg0': jnp.zeros((D_HID,), dtype=jnp.float32),
        'W_pos1': jax.random.normal(ks[6], (D_HID, D_HID), dtype=jnp.float32) * s_hid,
        'b_pos1': jnp.zeros((D_HID,), dtype=jnp.float32),
        'W_neg1': jax.random.normal(ks[7], (D_HID, D_HID), dtype=jnp.float32) * s_hid,
        'b_neg1': jnp.zeros((D_HID,), dtype=jnp.float32),
        'ln_g': jnp.ones((D_HID,), dtype=jnp.float32),
        'ln_b': jnp.zeros((D_HID,), dtype=jnp.float32),
    }
    return inp


def reference(x, edge_index, edge_weight, batch, W_pos0, b_pos0, W_neg0, b_neg0, W_pos1, b_pos1, W_neg1, b_neg1, ln_g, ln_b):
    pos_mask = edge_weight > 0
    neg_mask = edge_weight < 0
    N = x.shape[0]
    Wp = [(W_pos0, b_pos0), (W_pos1, b_pos1)]
    Wn = [(W_neg0, b_neg0), (W_neg1, b_neg1)]
    h = x
    for (wp, bp), (wn, bn) in zip(Wp, Wn):
        px = gcn_conv(h, edge_index[0], edge_index[1], wp, bp, N, pos_mask)
        nx = gcn_conv(h, edge_index[0], edge_index[1], wn, bn, N, neg_mask)
        h = jax.nn.relu(px) - jax.nn.relu(nx)
    ones = jnp.ones((N,), dtype=h.dtype)
    cnt = jax.ops.segment_sum(ones, batch, num_segments=N_GRAPHS)
    pooled = jax.ops.segment_sum(h, batch, num_segments=N_GRAPHS) / jnp.maximum(cnt, 1.0)[:, None]
    mean = pooled.mean(axis=-1, keepdims=True)
    var = ((pooled - mean) ** 2).mean(axis=-1, keepdims=True)
    return ln_g * (pooled - mean) / jnp.sqrt(var + 1e-5) + ln_b

if __name__ == "__main__":
    import jax
    _d = setup_inputs()
    print(jax.jit(kernel)(*tuple(_d.values())))

</pallas_src>

<mosaic_0001>
#map = affine_map<(d0, d1) -> (0, 0)>
module attributes {stable_mosaic.version = 14 : i64} {
  func.func @_deg_body(%arg0: i32, %arg1: i32, %arg2: memref<2528x128xi32, #tpu.memory_space<hbm>>, %arg3: memref<128x16xf32, #tpu.memory_space<hbm>>, %arg4: memref<1280x16xf32, #tpu.memory_space<hbm>>, %arg5: memref<40960x16xf32, #tpu.memory_space<hbm>>, %arg6: memref<79x128xi32, #tpu.memory_space<vmem>>, %arg7: memref<128x16xf32, #tpu.memory_space<vmem>>, %arg8: memref<20480x16xf32, #tpu.memory_space<vmem_shared>>) attributes {dimension_semantics = [#tpu.dimension_semantics<core_parallel>, #tpu.dimension_semantics<subcore_parallel>], iteration_bounds = array<i64: 2, 16>, scalar_prefetch = 0 : i64, scratch_operands = 3 : i64, tpu.core_type = #tpu.core_type<sc_vector_subcore>, window_params = [{transform_indices = #map}, {transform_indices = #map}, {transform_indices = #map}, {transform_indices = #map}]} {
    %mul3A = arith.constant 2 : i32
    %mul3A_0 = arith.muli %arg1, %mul3A : i32
    %add3A = arith.addi %mul3A_0, %arg0 : i32
    %mul3A_1 = arith.constant 79 : i32
    %mul3A_2 = arith.muli %add3A, %mul3A_1 : i32
    "tpu.region"() ({
      %run_scoped3A = tpu.sem_alloc : memref<!tpu.dma_semaphore, #tpu.memory_space<semaphore_mem>>
      %dma_start3A = arith.constant 0 : i32
      %dma_start3A_18 = tpu.memref_slice %arg2[%mul3A_2, %dma_start3A] : memref<2528x128xi32, #tpu.memory_space<hbm>> -> memref<79x128xi32, #tpu.memory_space<hbm>>
      %dma_start3A_19 = arith.constant 0 : i32
      %dma_start3A_20 = tpu.memref_slice %arg2[%mul3A_2, %dma_start3A_19] : memref<2528x128xi32, #tpu.memory_space<hbm>> -> memref<79x128xi32, #tpu.memory_space<hbm>>
      tpu.enqueue_dma source(%dma_start3A_20 : memref<79x128xi32, #tpu.memory_space<hbm>>) target(%arg6 : memref<79x128xi32, #tpu.memory_space<vmem>>) target_semaphore(%run_scoped3A : memref<!tpu.dma_semaphore, #tpu.memory_space<semaphore_mem>>)
      %dma_wait3A = arith.constant 0 : i32
      %dma_wait3A_21 = tpu.memref_slice %arg2[%mul3A_2, %dma_wait3A] : memref<2528x128xi32, #tpu.memory_space<hbm>> -> memref<79x128xi32, #tpu.memory_space<hbm>>
      %dma_wait3A_22 = arith.constant 0 : i32
      %dma_wait3A_23 = tpu.memref_slice %arg2[%mul3A_2, %dma_wait3A_22] : memref<2528x128xi32, #tpu.memory_space<hbm>> -> memref<79x128xi32, #tpu.memory_space<hbm>>
      tpu.wait_dma2 semaphore(%run_scoped3A : memref<!tpu.dma_semaphore, #tpu.memory_space<semaphore_mem>>) src(%dma_wait3A_23 : memref<79x128xi32, #tpu.memory_space<hbm>>) dst(%arg6 : memref<79x128xi32, #tpu.memory_space<vmem>>)
      tpu.yield
    }) : () -> ()
    "tpu.region"() ({
      %run_scoped3A = tpu.sem_alloc : memref<!tpu.dma_semaphore, #tpu.memory_space<semaphore_mem>>
      tpu.enqueue_dma source(%arg3 : memref<128x16xf32, #tpu.memory_space<hbm>>) target(%arg7 : memref<128x16xf32, #tpu.memory_space<vmem>>) target_semaphore(%run_scoped3A : memref<!tpu.dma_semaphore, #tpu.memory_space<semaphore_mem>>)
      tpu.wait_dma2 semaphore(%run_scoped3A : memref<!tpu.dma_semaphore, #tpu.memory_space<semaphore_mem>>) src(%arg3 : memref<128x16xf32, #tpu.memory_space<hbm>>) dst(%arg7 : memref<128x16xf32, #tpu.memory_space<vmem>>)
      tpu.yield
    }) : () -> ()
    %mul3A_3 = arith.constant 1280 : i32
    %mul3A_4 = arith.muli %arg1, %mul3A_3 : i32
    "tpu.region"() ({
      %run_scoped3A = tpu.sem_alloc : memref<!tpu.dma_semaphore, #tpu.memory_space<semaphore_mem>>
      %dma_start3A = arith.constant 0 : i32
      %dma_start3A_18 = tpu.memref_slice %arg8[%mul3A_4, %dma_start3A] : memref<20480x16xf32, #tpu.memory_space<vmem_shared>> -> memref<1280x16xf32, #tpu.memory_space<vmem_shared>>
      tpu.enqueue_dma source(%arg4 : memref<1280x16xf32, #tpu.memory_space<hbm>>) target(%dma_start3A_18 : memref<1280x16xf32, #tpu.memory_space<vmem_shared>>) target_semaphore(%run_scoped3A : memref<!tpu.dma_semaphore, #tpu.memory_space<semaphore_mem>>)
      %dma_wait3A = arith.constant 0 : i32
      %dma_wait3A_19 = tpu.memref_slice %arg8[%mul3A_4, %dma_wait3A] : memref<20480x16xf32, #tpu.memory_space<vmem_shared>> -> memref<1280x16xf32, #tpu.memory_space<vmem_shared>>
      tpu.wait_dma2 semaphore(%run_scoped3A : memref<!tpu.dma_semaphore, #tpu.memory_space<semaphore_mem>>) src(%arg4 : memref<1280x16xf32, #tpu.memory_space<hbm>>) dst(%dma_wait3A_19 : memref<1280x16xf32, #tpu.memory_space<vmem_shared>>)
      tpu.yield
    }) : () -> ()
    %barrier3A = arith.constant 0 : index
    tpu.barrier barrier_id(%barrier3A)
    %scan3A = arith.constant 0 : i32
    %scan3A_5 = arith.constant 0 : i32
    %scan3A_6 = arith.constant 79 : i32
    %scan3A_7 = arith.addi %scan3A_5, %scan3A_6 : i32
    %scan3A_8 = arith.constant 1 : i32
    scf.for %scan3A_18 = %scan3A_5 to %scan3A_7 step %scan3A_8  : i32 {
      "tpu.region"() ({
        %run_scoped3A = tpu.sem_alloc : memref<!tpu.dma_semaphore, #tpu.memory_space<semaphore_mem>>
        %dma_start3A = arith.constant 0 : i32
        %dma_start3A_19 = tpu.memref_slice %arg6[%scan3A_18, %dma_start3A] : memref<79x128xi32, #tpu.memory_space<vmem>> -> memref<1x128xi32, #tpu.memory_space<vmem>>
        %dma_start3A_20 = tpu.memref_squeeze %dma_start3A_19 : memref<1x128xi32, #tpu.memory_space<vmem>> -> memref<128xi32, #tpu.memory_space<vmem>>
        %dma_start3A_21 = arith.constant 0 : i32
        %dma_start3A_22 = arith.constant 0 : i32
        %dma_start3A_23 = tpu.memref_slice %arg8[%dma_start3A_21, %dma_start3A_22] : memref<20480x16xf32, #tpu.memory_space<vmem_shared>> -> memref<20480x16xf32, #tpu.memory_space<vmem_shared>>
        tpu.enqueue_indirect_dma source(%arg7 : memref<128x16xf32, #tpu.memory_space<vmem>>) target(%dma_start3A_23 : memref<20480x16xf32, #tpu.memory_space<vmem_shared>>) offsets(%dma_start3A_20 : memref<128xi32, #tpu.memory_space<vmem>>) semaphore(%run_scoped3A : memref<!tpu.dma_semaphore, #tpu.memory_space<semaphore_mem>>) {add = true}
        %dma_wait3A = arith.constant 0 : i32
        %dma_wait3A_24 = tpu.memref_slice %arg6[%scan3A_18, %dma_wait3A] : memref<79x128xi32, #tpu.memory_space<vmem>> -> memref<1x128xi32, #tpu.memory_space<vmem>>
        %dma_wait3A_25 = tpu.memref_squeeze %dma_wait3A_24 : memref<1x128xi32, #tpu.memory_space<vmem>> -> memref<128xi32, #tpu.memory_space<vmem>>
        %dma_wait3A_26 = arith.constant 0 : i32
        %dma_wait3A_27 = arith.constant 0 : i32
        %dma_wait3A_28 = tpu.memref_slice %arg8[%dma_wait3A_26, %dma_wait3A_27] : memref<20480x16xf32, #tpu.memory_space<vmem_shared>> -> memref<20480x16xf32, #tpu.memory_space<vmem_shared>>
        tpu.wait_indirect_dma semaphore(%run_scoped3A : memref<!tpu.dma_semaphore, #tpu.memory_space<semaphore_mem>>) src(%arg7 : memref<128x16xf32, #tpu.memory_space<vmem>>) dst(%dma_wait3A_28 : memref<20480x16xf32, #tpu.memory_space<vmem_shared>>)
        tpu.yield
      }) : () -> ()
    }
    %scan3A_9 = arith.constant 79 : i32
    %barrier3A_10 = arith.constant 0 : index
    tpu.barrier barrier_id(%barrier3A_10)
    %mul3A_11 = arith.constant 1280 : i32
    %mul3A_12 = arith.muli %arg1, %mul3A_11 : i32
    %mul3A_13 = arith.constant 20480 : i32
    %mul3A_14 = arith.muli %arg0, %mul3A_13 : i32
    %mul3A_15 = arith.constant 1280 : i32
    %mul3A_16 = arith.muli %arg1, %mul3A_15 : i32
    %add3A_17 = arith.addi %mul3A_14, %mul3A_16 : i32
    "tpu.region"() ({
      %run_scoped3A = tpu.sem_alloc : memref<!tpu.dma_semaphore, #tpu.memory_space<semaphore_mem>>
      %dma_start3A = arith.constant 0 : i32
      %dma_start3A_18 = tpu.memref_slice %arg5[%add3A_17, %dma_start3A] : memref<40960x16xf32, #tpu.memory_space<hbm>> -> memref<1280x16xf32, #tpu.memory_space<hbm>>
      %dma_start3A_19 = arith.constant 0 : i32
      %dma_start3A_20 = tpu.memref_slice %arg8[%mul3A_12, %dma_start3A_19] : memref<20480x16xf32, #tpu.memory_space<vmem_shared>> -> memref<1280x16xf32, #tpu.memory_space<vmem_shared>>
      tpu.enqueue_dma source(%dma_start3A_20 : memref<1280x16xf32, #tpu.memory_space<vmem_shared>>) target(%dma_start3A_18 : memref<1280x16xf32, #tpu.memory_space<hbm>>) target_semaphore(%run_scoped3A : memref<!tpu.dma_semaphore, #tpu.memory_space<semaphore_mem>>)
      %dma_wait3A = arith.constant 0 : i32
      %dma_wait3A_21 = tpu.memref_slice %arg5[%add3A_17, %dma_wait3A] : memref<40960x16xf32, #tpu.memory_space<hbm>> -> memref<1280x16xf32, #tpu.memory_space<hbm>>
      %dma_wait3A_22 = arith.constant 0 : i32
      %dma_wait3A_23 = tpu.memref_slice %arg8[%mul3A_12, %dma_wait3A_22] : memref<20480x16xf32, #tpu.memory_space<vmem_shared>> -> memref<1280x16xf32, #tpu.memory_space<vmem_shared>>
      tpu.wait_dma2 semaphore(%run_scoped3A : memref<!tpu.dma_semaphore, #tpu.memory_space<semaphore_mem>>) src(%dma_wait3A_23 : memref<1280x16xf32, #tpu.memory_space<vmem_shared>>) dst(%dma_wait3A_21 : memref<1280x16xf32, #tpu.memory_space<hbm>>)
      tpu.yield
    }) : () -> ()
    return
  }
}

#map = affine_map<(d0, d1) -> (0, 0)>
module attributes {stable_mosaic.version = 14 : i64} {
  func.func @_edge_body(%arg0: i32, %arg1: i32, %arg2: memref<40000x64xf32, #tpu.memory_space<hbm>>, %arg3: memref<5056x128xi32, #tpu.memory_space<hbm>>, %arg4: memref<2528x128xi32, #tpu.memory_space<hbm>>, %arg5: memref<1280x64xf32, #tpu.memory_space<hbm>>, %arg6: memref<40960x64xf32, #tpu.memory_space<hbm>>, %arg7: memref<79x128xi32, #tpu.memory_space<vmem>>, %arg8: memref<79x128xi32, #tpu.memory_space<vmem>>, %arg9: memref<128x64xf32, #tpu.memory_space<vmem>>, %arg10: memref<128x64xf32, #tpu.memory_space<vmem>>, %arg11: memref<128x64xf32, #tpu.memory_space<vmem>>, %arg12: memref<20480x64xf32, #tpu.memory_space<vmem_shared>>, %arg13: memref<!tpu.dma_semaphore, #tpu.memory_space<semaphore_mem>>, %arg14: memref<!tpu.dma_semaphore, #tpu.memory_space<semaphore_mem>>, %arg15: memref<!tpu.dma_semaphore, #tpu.memory_space<semaphore_mem>>, %arg16: memref<!tpu.dma_semaphore, #tpu.memory_space<semaphore_mem>>, %arg17: memref<!tpu.dma_semaphore, #tpu.memory_space<semaphore_mem>>, %arg18: memref<!tpu.dma_semaphore, #tpu.memory_space<semaphore_mem>>) attributes {dimension_semantics = [#tpu.dimension_semantics<core_parallel>, #tpu.dimension_semantics<subcore_parallel>], iteration_bounds = array<i64: 2, 16>, scalar_prefetch = 0 : i64, scratch_operands = 12 : i64, tpu.core_type = #tpu.core_type<sc_vector_subcore>, window_params = [{transform_indices = #map}, {transform_indices = #map}, {transform_indices = #map}, {transform_indices = #map}, {transform_indices = #map}]} {
    %mul3A = arith.constant 1280 : i32
    %mul3A_0 = arith.muli %arg1, %mul3A : i32
    "tpu.region"() ({
      %run_scoped3A = tpu.sem_alloc : memref<!tpu.dma_semaphore, #tpu.memory_space<semaphore_mem>>
      %dma_start3A = arith.constant 0 : i32
      %dma_start3A_13 = tpu.memref_slice %arg12[%mul3A_0, %dma_start3A] : memref<20480x64xf32, #tpu.memory_space<vmem_shared>> -> memref<1280x64xf32, #tpu.memory_space<vmem_shared>>
      tpu.enqueue_dma source(%arg5 : memref<1280x64xf32, #tpu.memory_space<hbm>>) target(%dma_start3A_13 : memref<1280x64xf32, #tpu.memory_space<vmem_shared>>) target_semaphore(%run_scoped3A : memref<!tpu.dma_semaphore, #tpu.memory_space<semaphore_mem>>)
      %dma_wait3A = arith.constant 0 : i32
      %dma_wait3A_14 = tpu.memref_slice %arg12[%mul3A_0, %dma_wait3A] : memref<20480x64xf32, #tpu.memory_space<vmem_shared>> -> memref<1280x64xf32, #tpu.memory_space<vmem_shared>>
      tpu.wait_dma2 semaphore(%run_scoped3A : memref<!tpu.dma_semaphore, #tpu.memory_space<semaphore_mem>>) src(%arg5 : memref<1280x64xf32, #tpu.memory_space<hbm>>) dst(%dma_wait3A_14 : memref<1280x64xf32, #tpu.memory_space<vmem_shared>>)
      tpu.yield
    }) : () -> ()
    %barrier3A = arith.constant 0 : index
    tpu.barrier barrier_id(%barrier3A)
    %scan3A = arith.constant 0 : i32
    %scan3A_1 = arith.constant 0 : i32
    %scan3A_2 = arith.constant 2 : i32
    %scan3A_3 = arith.addi %scan3A_1, %scan3A_2 : i32
    %scan3A_4 = arith.constant 1 : i32
    scf.for %scan3A_13 = %scan3A_1 to %scan3A_3 step %scan3A_4  : i32 {
      %mul3A_14 = arith.constant 158 : i32
      %mul3A_15 = arith.muli %arg1, %mul3A_14 : i32
      %mul3A_16 = arith.constant 79 : i32
      %mul3A_17 = arith.muli %scan3A_13, %mul3A_16 : i32
      %add3A_18 = arith.addi %mul3A_15, %mul3A_17 : i32
      %mul3A_19 = arith.constant 2528 : i32
      %mul3A_20 = arith.muli %arg0, %mul3A_19 : i32
      %add3A_21 = arith.addi %mul3A_20, %add3A_18 : i32
      "tpu.region"() ({
        %run_scoped3A = tpu.sem_alloc : memref<!tpu.dma_semaphore, #tpu.memory_space<semaphore_mem>>
        %dma_start3A_61 = arith.constant 0 : i32
        %dma_start3A_62 = tpu.memref_slice %arg3[%add3A_21, %dma_start3A_61] : memref<5056x128xi32, #tpu.memory_space<hbm>> -> memref<79x128xi32, #tpu.memory_space<hbm>>
        %dma_start3A_63 = arith.constant 0 : i32
        %dma_start3A_64 = tpu.memref_slice %arg3[%add3A_21, %dma_start3A_63] : memref<5056x128xi32, #tpu.memory_space<hbm>> -> memref<79x128xi32, #tpu.memory_space<hbm>>
        tpu.enqueue_dma source(%dma_start3A_64 : memref<79x128xi32, #tpu.memory_space<hbm>>) target(%arg7 : memref<79x128xi32, #tpu.memory_space<vmem>>) target_semaphore(%run_scoped3A : memref<!tpu.dma_semaphore, #tpu.memory_space<semaphore_mem>>)
        %dma_wait3A_65 = arith.constant 0 : i32
        %dma_wait3A_66 = tpu.memref_slice %arg3[%add3A_21, %dma_wait3A_65] : memref<5056x128xi32, #tpu.memory_space<hbm>> -> memref<79x128xi32, #tpu.memory_space<hbm>>
        %dma_wait3A_67 = arith.constant 0 : i32
        %dma_wait3A_68 = tpu.memref_slice %arg3[%add3A_21, %dma_wait3A_67] : memref<5056x128xi32, #tpu.memory_space<hbm>> -> memref<79x128xi32, #tpu.memory_space<hbm>>
        tpu.wait_dma2 semaphore(%run_scoped3A : memref<!tpu.dma_semaphore, #tpu.memory_space<semaphore_mem>>) src(%dma_wait3A_68 : memref<79x128xi32, #tpu.memory_space<hbm>>) dst(%arg7 : memref<79x128xi32, #tpu.memory_space<vmem>>)
        tpu.yield
      }) : () -> ()
      "tpu.region"() ({
        %run_scoped3A = tpu.sem_alloc : memref<!tpu.dma_semaphore, #tpu.memory_space<semaphore_mem>>
        %dma_start3A_61 = arith.constant 0 : i32
        %dma_start3A_62 = tpu.memref_slice %arg4[%add3A_18, %dma_start3A_61] : memref<2528x128xi32, #tpu.memory_space<hbm>> -> memref<79x128xi32, #tpu.memory_space<hbm>>
        %dma_start3A_63 = arith.constant 0 : i32
        %dma_start3A_64 = tpu.memref_slice %arg4[%add3A_18, %dma_start3A_63] : memref<2528x128xi32, #tpu.memory_space<hbm>> -> memref<79x128xi32, #tpu.memory_space<hbm>>
        tpu.enqueue_dma source(%dma_start3A_64 : memref<79x128xi32, #tpu.memory_space<hbm>>) target(%arg8 : memref<79x128xi32, #tpu.memory_space<vmem>>) target_semaphore(%run_scoped3A : memref<!tpu.dma_semaphore, #tpu.memory_space<semaphore_mem>>)
        %dma_wait3A_65 = arith.constant 0 : i32
        %dma_wait3A_66 = tpu.memref_slice %arg4[%add3A_18, %dma_wait3A_65] : memref<2528x128xi32, #tpu.memory_space<hbm>> -> memref<79x128xi32, #tpu.memory_space<hbm>>
        %dma_wait3A_67 = arith.constant 0 : i32
        %dma_wait3A_68 = tpu.memref_slice %arg4[%add3A_18, %dma_wait3A_67] : memref<2528x128xi32, #tpu.memory_space<hbm>> -> memref<79x128xi32, #tpu.memory_space<hbm>>
        tpu.wait_dma2 semaphore(%run_scoped3A : memref<!tpu.dma_semaphore, #tpu.memory_space<semaphore_mem>>) src(%dma_wait3A_68 : memref<79x128xi32, #tpu.memory_space<hbm>>) dst(%arg8 : memref<79x128xi32, #tpu.memory_space<vmem>>)
        tpu.yield
      }) : () -> ()
      %dma_start3A = arith.constant 0 : i32
      %dma_start3A_22 = arith.constant 0 : i32
      %dma_start3A_23 = tpu.memref_slice %arg7[%dma_start3A, %dma_start3A_22] : memref<79x128xi32, #tpu.memory_space<vmem>> -> memref<1x128xi32, #tpu.memory_space<vmem>>
      %dma_start3A_24 = tpu.memref_squeeze %dma_start3A_23 : memref<1x128xi32, #tpu.memory_space<vmem>> -> memref<128xi32, #tpu.memory_space<vmem>>
      %dma_start3A_25 = arith.constant 0 : i32
      %dma_start3A_26 = arith.constant 0 : i32
      %dma_start3A_27 = tpu.memref_slice %arg2[%dma_start3A_25, %dma_start3A_26] : memref<40000x64xf32, #tpu.memory_space<hbm>> -> memref<40000x64xf32, #tpu.memory_space<hbm>>
      tpu.enqueue_indirect_dma source(%dma_start3A_27 : memref<40000x64xf32, #tpu.memory_space<hbm>>) target(%arg9 : memref<128x64xf32, #tpu.memory_space<vmem>>) offsets(%dma_start3A_24 : memref<128xi32, #tpu.memory_space<vmem>>) semaphore(%arg13 : memref<!tpu.dma_semaphore, #tpu.memory_space<semaphore_mem>>)
      %dma_start3A_28 = arith.constant 1 : i32
      %dma_start3A_29 = arith.constant 0 : i32
      %dma_start3A_30 = tpu.memref_slice %arg7[%dma_start3A_28, %dma_start3A_29] : memref<79x128xi32, #tpu.memory_space<vmem>> -> memref<1x128xi32, #tpu.memory_space<vmem>>
      %dma_start3A_31 = tpu.memref_squeeze %dma_start3A_30 : memref<1x128xi32, #tpu.memory_space<vmem>> -> memref<128xi32, #tpu.memory_space<vmem>>
      %dma_start3A_32 = arith.constant 0 : i32
      %dma_start3A_33 = arith.constant 0 : i32
      %dma_start3A_34 = tpu.memref_slice %arg2[%dma_start3A_32, %dma_start3A_33] : memref<40000x64xf32, #tpu.memory_space<hbm>> -> memref<40000x64xf32, #tpu.memory_space<hbm>>
      tpu.enqueue_indirect_dma source(%dma_start3A_34 : memref<40000x64xf32, #tpu.memory_space<hbm>>) target(%arg10 : memref<128x64xf32, #tpu.memory_space<vmem>>) offsets(%dma_start3A_31 : memref<128xi32, #tpu.memory_space<vmem>>) semaphore(%arg14 : memref<!tpu.dma_semaphore, #tpu.memory_space<semaphore_mem>>)
      %scan3A_35 = arith.constant 0 : i32
      %scan3A_36 = arith.constant 0 : i32
      %scan3A_37 = arith.constant 79 : i32
      %scan3A_38 = arith.addi %scan3A_36, %scan3A_37 : i32
      %scan3A_39 = arith.constant 1 : i32
      scf.for %scan3A_61 = %scan3A_36 to %scan3A_38 step %scan3A_39  : i32 {
        %add3A_62 = arith.constant 2 : i32
        %add3A_63 = arith.addi %scan3A_61, %add3A_62 : i32
        %jit3A = arith.constant 3 : i32
        %eq3A = arith.constant 0 : i32
        %eq3A_64 = arith.cmpi eq, %jit3A, %eq3A : i32
        %jit3A_65 = arith.constant 1 : i32
        %select_n3A = arith.select %eq3A_64, %jit3A_65, %jit3A : i32
        %rem3A = arith.remsi %scan3A_61, %select_n3A : i32
        %ne3A = arith.constant 0 : i32
        %ne3A_66 = arith.cmpi ne, %rem3A, %ne3A : i32
        %lt3A = arith.constant 0 : i32
        %lt3A_67 = arith.cmpi slt, %rem3A, %lt3A : i32
        %lt3A_68 = arith.constant 0 : i32
        %lt3A_69 = arith.cmpi slt, %select_n3A, %lt3A_68 : i32
        %ne3A_70 = arith.xori %lt3A_67, %lt3A_69 : i1
        %and3A = arith.andi %ne3A_70, %ne3A_66 : i1
        %add3A_71 = arith.addi %rem3A, %select_n3A : i32
        %select_n3A_72 = arith.select %and3A, %add3A_71, %rem3A : i32
        %eq3A_73 = arith.constant 0 : i32
        %eq3A_74 = arith.cmpi eq, %select_n3A_72, %eq3A_73 : i32
        %convert_element_type3A = arith.extui %eq3A_74 : i1 to i32
        %cond3A = arith.constant 0 : i32
        %cond3A_75 = arith.cmpi ne, %convert_element_type3A, %cond3A : i32
        scf.if %cond3A_75 {
          %dma_wait3A_118 = arith.constant 0 : i32
          %dma_wait3A_119 = tpu.memref_slice %arg7[%scan3A_61, %dma_wait3A_118] : memref<79x128xi32, #tpu.memory_space<vmem>> -> memref<1x128xi32, #tpu.memory_space<vmem>>
          %dma_wait3A_120 = tpu.memref_squeeze %dma_wait3A_119 : memref<1x128xi32, #tpu.memory_space<vmem>> -> memref<128xi32, #tpu.memory_space<vmem>>
          %dma_wait3A_121 = arith.constant 0 : i32
          %dma_wait3A_122 = arith.constant 0 : i32
          %dma_wait3A_123 = tpu.memref_slice %arg2[%dma_wait3A_121, %dma_wait3A_122] : memref<40000x64xf32, #tpu.memory_space<hbm>> -> memref<40000x64xf32, #tpu.memory_space<hbm>>
          tpu.wait_indirect_dma semaphore(%arg13 : memref<!tpu.dma_semaphore, #tpu.memory_space<semaphore_mem>>) src(%dma_wait3A_123 : memref<40000x64xf32, #tpu.memory_space<hbm>>) dst(%arg9 : memref<128x64xf32, #tpu.memory_space<vmem>>)
          %dma_start3A_124 = arith.constant 0 : i32
          %dma_start3A_125 = tpu.memref_slice %arg8[%scan3A_61, %dma_start3A_124] : memref<79x128xi32, #tpu.memory_space<vmem>> -> memref<1x128xi32, #tpu.memory_space<vmem>>
          %dma_start3A_126 = tpu.memref_squeeze %dma_start3A_125 : memref<1x128xi32, #tpu.memory_space<vmem>> -> memref<128xi32, #tpu.memory_space<vmem>>
          %dma_start3A_127 = arith.constant 0 : i32
          %dma_start3A_128 = arith.constant 0 : i32
          %dma_start3A_129 = tpu.memref_slice %arg12[%dma_start3A_127, %dma_start3A_128] : memref<20480x64xf32, #tpu.memory_space<vmem_shared>> -> memref<20480x64xf32, #tpu.memory_space<vmem_shared>>
          tpu.enqueue_indirect_dma source(%arg9 : memref<128x64xf32, #tpu.memory_space<vmem>>) target(%dma_start3A_129 : memref<20480x64xf32, #tpu.memory_space<vmem_shared>>) offsets(%dma_start3A_126 : memref<128xi32, #tpu.memory_space<vmem>>) semaphore(%arg16 : memref<!tpu.dma_semaphore, #tpu.memory_space<semaphore_mem>>) {add = true}
          %lt3A_130 = arith.constant 79 : i32
          %lt3A_131 = arith.cmpi slt, %add3A_63, %lt3A_130 : i32
          %convert_element_type3A_132 = arith.extui %lt3A_131 : i1 to i32
          %cond3A_133 = arith.constant 0 : i32
          %cond3A_134 = arith.cmpi ne, %convert_element_type3A_132, %cond3A_133 : i32
          scf.if %cond3A_134 {
            %ge3A = arith.constant 1 : i32
            %ge3A_135 = arith.cmpi sge, %scan3A_61, %ge3A : i32
            %convert_element_type3A_136 = arith.extui %ge3A_135 : i1 to i32
            %cond3A_137 = arith.constant 0 : i32
            %cond3A_138 = arith.cmpi ne, %convert_element_type3A_136, %cond3A_137 : i32
            scf.if %cond3A_138 {
              %sub3A = arith.constant 1 : i32
              %sub3A_145 = arith.subi %scan3A_61, %sub3A : i32
              %dma_wait3A_146 = arith.constant 0 : i32
              %dma_wait3A_147 = tpu.memref_slice %arg8[%sub3A_145, %dma_wait3A_146] : memref<79x128xi32, #tpu.memory_space<vmem>> -> memref<1x128xi32, #tpu.memory_space<vmem>>
              %dma_wait3A_148 = tpu.memref_squeeze %dma_wait3A_147 : memref<1x128xi32, #tpu.memory_space<vmem>> -> memref<128xi32, #tpu.memory_space<vmem>>
              %dma_wait3A_149 = arith.constant 0 : i32
              %dma_wait3A_150 = arith.constant 0 : i32
              %dma_wait3A_151 = tpu.memref_slice %arg12[%dma_wait3A_149, %dma_wait3A_150] : memref<20480x64xf32, #tpu.memory_space<vmem_shared>> -> memref<20480x64xf32, #tpu.memory_space<vmem_shared>>
              tpu.wait_indirect_dma semaphore(%arg18 : memref<!tpu.dma_semaphore, #tpu.memory_space<semaphore_mem>>) src(%arg11 : memref<128x64xf32, #tpu.memory_space<vmem>>) dst(%dma_wait3A_151 : memref<20480x64xf32, #tpu.memory_space<vmem_shared>>)
            } else {
            }
            %dma_start3A_139 = arith.constant 0 : i32
            %dma_start3A_140 = tpu.memref_slice %arg7[%add3A_63, %dma_start3A_139] : memref<79x128xi32, #tpu.memory_space<vmem>> -> memref<1x128xi32, #tpu.memory_space<vmem>>
            %dma_start3A_141 = tpu.memref_squeeze %dma_start3A_140 : memref<1x128xi32, #tpu.memory_space<vmem>> -> memref<128xi32, #tpu.memory_space<vmem>>
            %dma_start3A_142 = arith.constant 0 : i32
            %dma_start3A_143 = arith.constant 0 : i32
            %dma_start3A_144 = tpu.memref_slice %arg2[%dma_start3A_142, %dma_start3A_143] : memref<40000x64xf32, #tpu.memory_space<hbm>> -> memref<40000x64xf32, #tpu.memory_space<hbm>>
            tpu.enqueue_indirect_dma source(%dma_start3A_144 : memref<40000x64xf32, #tpu.memory_space<hbm>>) target(%arg11 : memref<128x64xf32, #tpu.memory_space<vmem>>) offsets(%dma_start3A_141 : memref<128xi32, #tpu.memory_space<vmem>>) semaphore(%arg15 : memref<!tpu.dma_semaphore, #tpu.memory_space<semaphore_mem>>)
          } else {
          }
        } else {
        }
        %jit3A_76 = arith.constant 3 : i32
        %eq3A_77 = arith.constant 0 : i32
        %eq3A_78 = arith.cmpi eq, %jit3A_76, %eq3A_77 : i32
        %jit3A_79 = arith.constant 1 : i32
        %select_n3A_80 = arith.select %eq3A_78, %jit3A_79, %jit3A_76 : i32
        %rem3A_81 = arith.remsi %scan3A_61, %select_n3A_80 : i32
        %ne3A_82 = arith.constant 0 : i32
        %ne3A_83 = arith.cmpi ne, %rem3A_81, %ne3A_82 : i32
        %lt3A_84 = arith.constant 0 : i32
        %lt3A_85 = arith.cmpi slt, %rem3A_81, %lt3A_84 : i32
        %lt3A_86 = arith.constant 0 : i32
        %lt3A_87 = arith.cmpi slt, %select_n3A_80, %lt3A_86 : i32
        %ne3A_88 = arith.xori %lt3A_85, %lt3A_87 : i1
        %and3A_89 = arith.andi %ne3A_88, %ne3A_83 : i1
        %add3A_90 = arith.addi %rem3A_81, %select_n3A_80 : i32
        %select_n3A_91 = arith.select %and3A_89, %add3A_90, %rem3A_81 : i32
        %eq3A_92 = arith.constant 1 : i32
        %eq3A_93 = arith.cmpi eq, %select_n3A_91, %eq3A_92 : i32
        %convert_element_type3A_94 = arith.extui %eq3A_93 : i1 to i32
        %cond3A_95 = arith.constant 0 : i32
        %cond3A_96 = arith.cmpi ne, %convert_element_type3A_94, %cond3A_95 : i32
        scf.if %cond3A_96 {
          %dma_wait3A_118 = arith.constant 0 : i32
          %dma_wait3A_119 = tpu.memref_slice %arg7[%scan3A_61, %dma_wait3A_118] : memref<79x128xi32, #tpu.memory_space<vmem>> -> memref<1x128xi32, #tpu.memory_space<vmem>>
          %dma_wait3A_120 = tpu.memref_squeeze %dma_wait3A_119 : memref<1x128xi32, #tpu.memory_space<vmem>> -> memref<128xi32, #tpu.memory_space<vmem>>
          %dma_wait3A_121 = arith.constant 0 : i32
          %dma_wait3A_122 = arith.constant 0 : i32
          %dma_wait3A_123 = tpu.memref_slice %arg2[%dma_wait3A_121, %dma_wait3A_122] : memref<40000x64xf32, #tpu.memory_space<hbm>> -> memref<40000x64xf32, #tpu.memory_space<hbm>>
          tpu.wait_indirect_dma semaphore(%arg14 : memref<!tpu.dma_semaphore, #tpu.memory_space<semaphore_mem>>) src(%dma_wait3A_123 : memref<40000x64xf32, #tpu.memory_space<hbm>>) dst(%arg10 : memref<128x64xf32, #tpu.memory_space<vmem>>)
          %dma_start3A_124 = arith.constant 0 : i32
          %dma_start3A_125 = tpu.memref_slice %arg8[%scan3A_61, %dma_start3A_124] : memref<79x128xi32, #tpu.memory_space<vmem>> -> memref<1x128xi32, #tpu.memory_space<vmem>>
          %dma_start3A_126 = tpu.memref_squeeze %dma_start3A_125 : memref<1x128xi32, #tpu.memory_space<vmem>> -> memref<128xi32, #tpu.memory_space<vmem>>
          %dma_start3A_127 = arith.constant 0 : i32
          %dma_start3A_128 = arith.constant 0 : i32
          %dma_start3A_129 = tpu.memref_slice %arg12[%dma_start3A_127, %dma_start3A_128] : memref<20480x64xf32, #tpu.memory_space<vmem_shared>> -> memref<20480x64xf32, #tpu.memory_space<vmem_shared>>
          tpu.enqueue_indirect_dma source(%arg10 : memref<128x64xf32, #tpu.memory_space<vmem>>) target(%dma_start3A_129 : memref<20480x64xf32, #tpu.memory_space<vmem_shared>>) offsets(%dma_start3A_126 : memref<128xi32, #tpu.memory_space<vmem>>) semaphore(%arg17 : memref<!tpu.dma_semaphore, #tpu.memory_space<semaphore_mem>>) {add = true}
          %lt3A_130 = arith.constant 79 : i32
          %lt3A_131 = arith.cmpi slt, %add3A_63, %lt3A_130 : i32
          %convert_element_type3A_132 = arith.extui %lt3A_131 : i1 to i32
          %cond3A_133 = arith.constant 0 : i32
          %cond3A_134 = arith.cmpi ne, %convert_element_type3A_132, %cond3A_133 : i32
          scf.if %cond3A_134 {
            %ge3A = arith.constant 1 : i32
            %ge3A_135 = arith.cmpi sge, %scan3A_61, %ge3A : i32
            %convert_element_type3A_136 = arith.extui %ge3A_135 : i1 to i32
            %cond3A_137 = arith.constant 0 : i32
            %cond3A_138 = arith.cmpi ne, %convert_element_type3A_136, %cond3A_137 : i32
            scf.if %cond3A_138 {
              %sub3A = arith.constant 1 : i32
              %sub3A_145 = arith.subi %scan3A_61, %sub3A : i32
              %dma_wait3A_146 = arith.constant 0 : i32
              %dma_wait3A_147 = tpu.memref_slice %arg8[%sub3A_145, %dma_wait3A_146] : memref<79x128xi32, #tpu.memory_space<vmem>> -> memref<1x128xi32, #tpu.memory_space<vmem>>
              %dma_wait3A_148 = tpu.memref_squeeze %dma_wait3A_147 : memref<1x128xi32, #tpu.memory_space<vmem>> -> memref<128xi32, #tpu.memory_space<vmem>>
              %dma_wait3A_149 = arith.constant 0 : i32
              %dma_wait3A_150 = arith.constant 0 : i32
              %dma_wait3A_151 = tpu.memref_slice %arg12[%dma_wait3A_149, %dma_wait3A_150] : memref<20480x64xf32, #tpu.memory_space<vmem_shared>> -> memref<20480x64xf32, #tpu.memory_space<vmem_shared>>
              tpu.wait_indirect_dma semaphore(%arg16 : memref<!tpu.dma_semaphore, #tpu.memory_space<semaphore_mem>>) src(%arg9 : memref<128x64xf32, #tpu.memory_space<vmem>>) dst(%dma_wait3A_151 : memref<20480x64xf32, #tpu.memory_space<vmem_shared>>)
            } else {
            }
            %dma_start3A_139 = arith.constant 0 : i32
            %dma_start3A_140 = tpu.memref_slice %arg7[%add3A_63, %dma_start3A_139] : memref<79x128xi32, #tpu.memory_space<vmem>> -> memref<1x128xi32, #tpu.memory_space<vmem>>
            %dma_start3A_141 = tpu.memref_squeeze %dma_start3A_140 : memref<1x128xi32, #tpu.memory_space<vmem>> -> memref<128xi32, #tpu.memory_space<vmem>>
            %dma_start3A_142 = arith.constant 0 : i32
            %dma_start3A_143 = arith.constant 0 : i32
            %dma_start3A_144 = tpu.memref_slice %arg2[%dma_start3A_142, %dma_start3A_143] : memref<40000x64xf32, #tpu.memory_space<hbm>> -> memref<40000x64xf32, #tpu.memory_space<hbm>>
            tpu.enqueue_indirect_dma source(%dma_start3A_144 : memref<40000x64xf32, #tpu.memory_space<hbm>>) target(%arg9 : memref<128x64xf32, #tpu.memory_space<vmem>>) offsets(%dma_start3A_141 : memref<128xi32, #tpu.memory_space<vmem>>) semaphore(%arg13 : memref<!tpu.dma_semaphore, #tpu.memory_space<semaphore_mem>>)
          } else {
          }
        } else {
        }
        %jit3A_97 = arith.constant 3 : i32
        %eq3A_98 = arith.constant 0 : i32
        %eq3A_99 = arith.cmpi eq, %jit3A_97, %eq3A_98 : i32
        %jit3A_100 = arith.constant 1 : i32
        %select_n3A_101 = arith.select %eq3A_99, %jit3A_100, %jit3A_97 : i32
        %rem3A_102 = arith.remsi %scan3A_61, %select_n3A_101 : i32
        %ne3A_103 = arith.constant 0 : i32
        %ne3A_104 = arith.cmpi ne, %rem3A_102, %ne3A_103 : i32
        %lt3A_105 = arith.constant 0 : i32
        %lt3A_106 = arith.cmpi slt, %rem3A_102, %lt3A_105 : i32
        %lt3A_107 = arith.constant 0 : i32
        %lt3A_108 = arith.cmpi slt, %select_n3A_101, %lt3A_107 : i32
        %ne3A_109 = arith.xori %lt3A_106, %lt3A_108 : i1
        %and3A_110 = arith.andi %ne3A_109, %ne3A_104 : i1
        %add3A_111 = arith.addi %rem3A_102, %select_n3A_101 : i32
        %select_n3A_112 = arith.select %and3A_110, %add3A_111, %rem3A_102 : i32
        %eq3A_113 = arith.constant 2 : i32
        %eq3A_114 = arith.cmpi eq, %select_n3A_112, %eq3A_113 : i32
        %convert_element_type3A_115 = arith.extui %eq3A_114 : i1 to i32
        %cond3A_116 = arith.constant 0 : i32
        %cond3A_117 = arith.cmpi ne, %convert_element_type3A_115, %cond3A_116 : i32
        scf.if %cond3A_117 {
          %dma_wait3A_118 = arith.constant 0 : i32
          %dma_wait3A_119 = tpu.memref_slice %arg7[%scan3A_61, %dma_wait3A_118] : memref<79x128xi32, #tpu.memory_space<vmem>> -> memref<1x128xi32, #tpu.memory_space<vmem>>
          %dma_wait3A_120 = tpu.memref_squeeze %dma_wait3A_119 : memref<1x128xi32, #tpu.memory_space<vmem>> -> memref<128xi32, #tpu.memory_space<vmem>>
          %dma_wait3A_121 = arith.constant 0 : i32
          %dma_wait3A_122 = arith.constant 0 : i32
          %dma_wait3A_123 = tpu.memref_slice %arg2[%dma_wait3A_121, %dma_wait3A_122] : memref<40000x64xf32, #tpu.memory_space<hbm>> -> memref<40000x64xf32, #tpu.memory_space<hbm>>
          tpu.wait_indirect_dma semaphore(%arg15 : memref<!tpu.dma_semaphore, #tpu.memory_space<semaphore_mem>>) src(%dma_wait3A_123 : memref<40000x64xf32, #tpu.memory_space<hbm>>) dst(%arg11 : memref<128x64xf32, #tpu.memory_space<vmem>>)
          %dma_start3A_124 = arith.constant 0 : i32
          %dma_start3A_125 = tpu.memref_slice %arg8[%scan3A_61, %dma_start3A_124] : memref<79x128xi32, #tpu.memory_space<vmem>> -> memref<1x128xi32, #tpu.memory_space<vmem>>
          %dma_start3A_126 = tpu.memref_squeeze %dma_start3A_125 : memref<1x128xi32, #tpu.memory_space<vmem>> -> memref<128xi32, #tpu.memory_space<vmem>>
          %dma_start3A_127 = arith.constant 0 : i32
          %dma_start3A_128 = arith.constant 0 : i32
          %dma_start3A_129 = tpu.memref_slice %arg12[%dma_start3A_127, %dma_start3A_128] : memref<20480x64xf32, #tpu.memory_space<vmem_shared>> -> memref<20480x64xf32, #tpu.memory_space<vmem_shared>>
          tpu.enqueue_indirect_dma source(%arg11 : memref<128x64xf32, #tpu.memory_space<vmem>>) target(%dma_start3A_129 : memref<20480x64xf32, #tpu.memory_space<vmem_shared>>) offsets(%dma_start3A_126 : memref<128xi32, #tpu.memory_space<vmem>>) semaphore(%arg18 : memref<!tpu.dma_semaphore, #tpu.memory_space<semaphore_mem>>) {add = true}
          %lt3A_130 = arith.constant 79 : i32
          %lt3A_131 = arith.cmpi slt, %add3A_63, %lt3A_130 : i32
          %convert_element_type3A_132 = arith.extui %lt3A_131 : i1 to i32
          %cond3A_133 = arith.constant 0 : i32
          %cond3A_134 = arith.cmpi ne, %convert_element_type3A_132, %cond3A_133 : i32
          scf.if %cond3A_134 {
            %ge3A = arith.constant 1 : i32
            %ge3A_135 = arith.cmpi sge, %scan3A_61, %ge3A : i32
            %convert_element_type3A_136 = arith.extui %ge3A_135 : i1 to i32
            %cond3A_137 = arith.constant 0 : i32
            %cond3A_138 = arith.cmpi ne, %convert_element_type3A_136, %cond3A_137 : i32
            scf.if %cond3A_138 {
              %sub3A = arith.constant 1 : i32
              %sub3A_145 = arith.subi %scan3A_61, %sub3A : i32
              %dma_wait3A_146 = arith.constant 0 : i32
              %dma_wait3A_147 = tpu.memref_slice %arg8[%sub3A_145, %dma_wait3A_146] : memref<79x128xi32, #tpu.memory_space<vmem>> -> memref<1x128xi32, #tpu.memory_space<vmem>>
              %dma_wait3A_148 = tpu.memref_squeeze %dma_wait3A_147 : memref<1x128xi32, #tpu.memory_space<vmem>> -> memref<128xi32, #tpu.memory_space<vmem>>
              %dma_wait3A_149 = arith.constant 0 : i32
              %dma_wait3A_150 = arith.constant 0 : i32
              %dma_wait3A_151 = tpu.memref_slice %arg12[%dma_wait3A_149, %dma_wait3A_150] : memref<20480x64xf32, #tpu.memory_space<vmem_shared>> -> memref<20480x64xf32, #tpu.memory_space<vmem_shared>>
              tpu.wait_indirect_dma semaphore(%arg17 : memref<!tpu.dma_semaphore, #tpu.memory_space<semaphore_mem>>) src(%arg10 : memref<128x64xf32, #tpu.memory_space<vmem>>) dst(%dma_wait3A_151 : memref<20480x64xf32, #tpu.memory_space<vmem_shared>>)
            } else {
            }
            %dma_start3A_139 = arith.constant 0 : i32
            %dma_start3A_140 = tpu.memref_slice %arg7[%add3A_63, %dma_start3A_139] : memref<79x128xi32, #tpu.memory_space<vmem>> -> memref<1x128xi32, #tpu.memory_space<vmem>>
            %dma_start3A_141 = tpu.memref_squeeze %dma_start3A_140 : memref<1x128xi32, #tpu.memory_space<vmem>> -> memref<128xi32, #tpu.memory_space<vmem>>
            %dma_start3A_142 = arith.constant 0 : i32
            %dma_start3A_143 = arith.constant 0 : i32
            %dma_start3A_144 = tpu.memref_slice %arg2[%dma_start3A_142, %dma_start3A_143] : memref<40000x64xf32, #tpu.memory_space<hbm>> -> memref<40000x64xf32, #tpu.memory_space<hbm>>
            tpu.enqueue_indirect_dma source(%dma_start3A_144 : memref<40000x64xf32, #tpu.memory_space<hbm>>) target(%arg10 : memref<128x64xf32, #tpu.memory_space<vmem>>) offsets(%dma_start3A_141 : memref<128xi32, #tpu.memory_space<vmem>>) semaphore(%arg14 : memref<!tpu.dma_semaphore, #tpu.memory_space<semaphore_mem>>)
          } else {
          }
        } else {
        }
      }
      %scan3A_40 = arith.constant 79 : i32
      %dma_wait3A = arith.constant 76 : i32
      %dma_wait3A_41 = arith.constant 0 : i32
      %dma_wait3A_42 = tpu.memref_slice %arg8[%dma_wait3A, %dma_wait3A_41] : memref<79x128xi32, #tpu.memory_space<vmem>> -> memref<1x128xi32, #tpu.memory_space<vmem>>
      %dma_wait3A_43 = tpu.memref_squeeze %dma_wait3A_42 : memref<1x128xi32, #tpu.memory_space<vmem>> -> memref<128xi32, #tpu.memory_space<vmem>>
      %dma_wait3A_44 = arith.constant 0 : i32
      %dma_wait3A_45 = arith.constant 0 : i32
      %dma_wait3A_46 = tpu.memref_slice %arg12[%dma_wait3A_44, %dma_wait3A_45] : memref<20480x64xf32, #tpu.memory_space<vmem_shared>> -> memref<20480x64xf32, #tpu.memory_space<vmem_shared>>
      tpu.wait_indirect_dma semaphore(%arg17 : memref<!tpu.dma_semaphore, #tpu.memory_space<semaphore_mem>>) src(%arg10 : memref<128x64xf32, #tpu.memory_space<vmem>>) dst(%dma_wait3A_46 : memref<20480x64xf32, #tpu.memory_space<vmem_shared>>)
      %dma_wait3A_47 = arith.constant 77 : i32
      %dma_wait3A_48 = arith.constant 0 : i32
      %dma_wait3A_49 = tpu.memref_slice %arg8[%dma_wait3A_47, %dma_wait3A_48] : memref<79x128xi32, #tpu.memory_space<vmem>> -> memref<1x128xi32, #tpu.memory_space<vmem>>
      %dma_wait3A_50 = tpu.memref_squeeze %dma_wait3A_49 : memref<1x128xi32, #tpu.memory_space<vmem>> -> memref<128xi32, #tpu.memory_space<vmem>>
      %dma_wait3A_51 = arith.constant 0 : i32
      %dma_wait3A_52 = arith.constant 0 : i32
      %dma_wait3A_53 = tpu.memref_slice %arg12[%dma_wait3A_51, %dma_wait3A_52] : memref<20480x64xf32, #tpu.memory_space<vmem_shared>> -> memref<20480x64xf32, #tpu.memory_space<vmem_shared>>
      tpu.wait_indirect_dma semaphore(%arg18 : memref<!tpu.dma_semaphore, #tpu.memory_space<semaphore_mem>>) src(%arg11 : memref<128x64xf32, #tpu.memory_space<vmem>>) dst(%dma_wait3A_53 : memref<20480x64xf32, #tpu.memory_space<vmem_shared>>)
      %dma_wait3A_54 = arith.constant 78 : i32
      %dma_wait3A_55 = arith.constant 0 : i32
      %dma_wait3A_56 = tpu.memref_slice %arg8[%dma_wait3A_54, %dma_wait3A_55] : memref<79x128xi32, #tpu.memory_space<vmem>> -> memref<1x128xi32, #tpu.memory_space<vmem>>
      %dma_wait3A_57 = tpu.memref_squeeze %dma_wait3A_56 : memref<1x128xi32, #tpu.memory_space<vmem>> -> memref<128xi32, #tpu.memory_space<vmem>>
      %dma_wait3A_58 = arith.constant 0 : i32
      %dma_wait3A_59 = arith.constant 0 : i32
      %dma_wait3A_60 = tpu.memref_slice %arg12[%dma_wait3A_58, %dma_wait3A_59] : memref<20480x64xf32, #tpu.memory_space<vmem_shared>> -> memref<20480x64xf32, #tpu.memory_space<vmem_shared>>
      tpu.wait_indirect_dma semaphore(%arg16 : memref<!tpu.dma_semaphore, #tpu.memory_space<semaphore_mem>>) src(%arg9 : memref<128x64xf32, #tpu.memory_space<vmem>>) dst(%dma_wait3A_60 : memref<20480x64xf32, #tpu.memory_space<vmem_shared>>)
    }
    %scan3A_5 = arith.constant 2 : i32
    %barrier3A_6 = arith.constant 0 : index
    tpu.barrier barrier_id(%barrier3A_6)
    %mul3A_7 = arith.constant 1280 : i32
    %mul3A_8 = arith.muli %arg1, %mul3A_7 : i32
    %mul3A_9 = arith.constant 20480 : i32
    %mul3A_10 = arith.muli %arg0, %mul3A_9 : i32
    %mul3A_11 = arith.constant 1280 : i32
    %mul3A_12 = arith.muli %arg1, %mul3A_11 : i32
    %add3A = arith.addi %mul3A_10, %mul3A_12 : i32
    "tpu.region"() ({
      %run_scoped3A = tpu.sem_alloc : memref<!tpu.dma_semaphore, #tpu.memory_space<semaphore_mem>>
      %dma_start3A = arith.constant 0 : i32
      %dma_start3A_13 = tpu.memref_slice %arg6[%add3A, %dma_start3A] : memref<40960x64xf32, #tpu.memory_space<hbm>> -> memref<1280x64xf32, #tpu.memory_space<hbm>>
      %dma_start3A_14 = arith.constant 0 : i32
      %dma_start3A_15 = tpu.memref_slice %arg12[%mul3A_8, %dma_start3A_14] : memref<20480x64xf32, #tpu.memory_space<vmem_shared>> -> memref<1280x64xf32, #tpu.memory_space<vmem_shared>>
      tpu.enqueue_dma source(%dma_start3A_15 : memref<1280x64xf32, #tpu.memory_space<vmem_shared>>) target(%dma_start3A_13 : memref<1280x64xf32, #tpu.memory_space<hbm>>) target_semaphore(%run_scoped3A : memref<!tpu.dma_semaphore, #tpu.memory_space<semaphore_mem>>)
      %dma_wait3A = arith.constant 0 : i32
      %dma_wait3A_16 = tpu.memref_slice %arg6[%add3A, %dma_wait3A] : memref<40960x64xf32, #tpu.memory_space<hbm>> -> memref<1280x64xf32, #tpu.memory_space<hbm>>
      %dma_wait3A_17 = arith.constant 0 : i32
      %dma_wait3A_18 = tpu.memref_slice %arg12[%mul3A_8, %dma_wait3A_17] : memref<20480x64xf32, #tpu.memory_space<vmem_shared>> -> memref<1280x64xf32, #tpu.memory_space<vmem_shared>>
      tpu.wait_dma2 semaphore(%run_scoped3A : memref<!tpu.dma_semaphore, #tpu.memory_space<semaphore_mem>>) src(%dma_wait3A_18 : memref<1280x64xf32, #tpu.memory_space<vmem_shared>>) dst(%dma_wait3A_16 : memref<1280x64xf32, #tpu.memory_space<hbm>>)
      tpu.yield
    }) : () -> ()
    return
  }
}

#map = affine_map<(d0, d1) -> (0, 0)>
module attributes {stable_mosaic.version = 14 : i64} {
  func.func @_edge_body(%arg0: i32, %arg1: i32, %arg2: memref<40000x64xf32, #tpu.memory_space<hbm>>, %arg3: memref<5056x128xi32, #tpu.memory_space<hbm>>, %arg4: memref<2528x128xi32, #tpu.memory_space<hbm>>, %arg5: memref<1280x64xf32, #tpu.memory_space<hbm>>, %arg6: memref<40960x64xf32, #tpu.memory_space<hbm>>, %arg7: memref<79x128xi32, #tpu.memory_space<vmem>>, %arg8: memref<79x128xi32, #tpu.memory_space<vmem>>, %arg9: memref<128x64xf32, #tpu.memory_space<vmem>>, %arg10: memref<128x64xf32, #tpu.memory_space<vmem>>, %arg11: memref<128x64xf32, #tpu.memory_space<vmem>>, %arg12: memref<20480x64xf32, #tpu.memory_space<vmem_shared>>, %arg13: memref<!tpu.dma_semaphore, #tpu.memory_space<semaphore_mem>>, %arg14: memref<!tpu.dma_semaphore, #tpu.memory_space<semaphore_mem>>, %arg15: memref<!tpu.dma_semaphore, #tpu.memory_space<semaphore_mem>>, %arg16: memref<!tpu.dma_semaphore, #tpu.memory_space<semaphore_mem>>, %arg17: memref<!tpu.dma_semaphore, #tpu.memory_space<semaphore_mem>>, %arg18: memref<!tpu.dma_semaphore, #tpu.memory_space<semaphore_mem>>) attributes {dimension_semantics = [#tpu.dimension_semantics<core_parallel>, #tpu.dimension_semantics<subcore_parallel>], iteration_bounds = array<i64: 2, 16>, scalar_prefetch = 0 : i64, scratch_operands = 12 : i64, tpu.core_type = #tpu.core_type<sc_vector_subcore>, window_params = [{transform_indices = #map}, {transform_indices = #map}, {transform_indices = #map}, {transform_indices = #map}, {transform_indices = #map}]} {
    %mul3A = arith.constant 1280 : i32
    %mul3A_0 = arith.muli %arg1, %mul3A : i32
    "tpu.region"() ({
      %run_scoped3A = tpu.sem_alloc : memref<!tpu.dma_semaphore, #tpu.memory_space<semaphore_mem>>
      %dma_start3A = arith.constant 0 : i32
      %dma_start3A_13 = tpu.memref_slice %arg12[%mul3A_0, %dma_start3A] : memref<20480x64xf32, #tpu.memory_space<vmem_shared>> -> memref<1280x64xf32, #tpu.memory_space<vmem_shared>>
      tpu.enqueue_dma source(%arg5 : memref<1280x64xf32, #tpu.memory_space<hbm>>) target(%dma_start3A_13 : memref<1280x64xf32, #tpu.memory_space<vmem_shared>>) target_semaphore(%run_scoped3A : memref<!tpu.dma_semaphore, #tpu.memory_space<semaphore_mem>>)
      %dma_wait3A = arith.constant 0 : i32
      %dma_wait3A_14 = tpu.memref_slice %arg12[%mul3A_0, %dma_wait3A] : memref<20480x64xf32, #tpu.memory_space<vmem_shared>> -> memref<1280x64xf32, #tpu.memory_space<vmem_shared>>
      tpu.wait_dma2 semaphore(%run_scoped3A : memref<!tpu.dma_semaphore, #tpu.memory_space<semaphore_mem>>) src(%arg5 : memref<1280x64xf32, #tpu.memory_space<hbm>>) dst(%dma_wait3A_14 : memref<1280x64xf32, #tpu.memory_space<vmem_shared>>)
      tpu.yield
    }) : () -> ()
    %barrier3A = arith.constant 0 : index
    tpu.barrier barrier_id(%barrier3A)
    %scan3A = arith.constant 0 : i32
    %scan3A_1 = arith.constant 0 : i32
    %scan3A_2 = arith.constant 2 : i32
    %scan3A_3 = arith.addi %scan3A_1, %scan3A_2 : i32
    %scan3A_4 = arith.constant 1 : i32
    scf.for %scan3A_13 = %scan3A_1 to %scan3A_3 step %scan3A_4  : i32 {
      %mul3A_14 = arith.constant 158 : i32
      %mul3A_15 = arith.muli %arg1, %mul3A_14 : i32
      %mul3A_16 = arith.constant 79 : i32
      %mul3A_17 = arith.muli %scan3A_13, %mul3A_16 : i32
      %add3A_18 = arith.addi %mul3A_15, %mul3A_17 : i32
      %mul3A_19 = arith.constant 2528 : i32
      %mul3A_20 = arith.muli %arg0, %mul3A_19 : i32
      %add3A_21 = arith.addi %mul3A_20, %add3A_18 : i32
      "tpu.region"() ({
        %run_scoped3A = tpu.sem_alloc : memref<!tpu.dma_semaphore, #tpu.memory_space<semaphore_mem>>
        %dma_start3A_61 = arith.constant 0 : i32
        %dma_start3A_62 = tpu.memref_slice %arg3[%add3A_21, %dma_start3A_61] : memref<5056x128xi32, #tpu.memory_space<hbm>> -> memref<79x128xi32, #tpu.memory_space<hbm>>
        %dma_start3A_63 = arith.constant 0 : i32
        %dma_start3A_64 = tpu.memref_slice %arg3[%add3A_21, %dma_start3A_63] : memref<5056x128xi32, #tpu.memory_space<hbm>> -> memref<79x128xi32, #tpu.memory_space<hbm>>
        tpu.enqueue_dma source(%dma_start3A_64 : memref<79x128xi32, #tpu.memory_space<hbm>>) target(%arg7 : memref<79x128xi32, #tpu.memory_space<vmem>>) target_semaphore(%run_scoped3A : memref<!tpu.dma_semaphore, #tpu.memory_space<semaphore_mem>>)
        %dma_wait3A_65 = arith.constant 0 : i32
        %dma_wait3A_66 = tpu.memref_slice %arg3[%add3A_21, %dma_wait3A_65] : memref<5056x128xi32, #tpu.memory_space<hbm>> -> memref<79x128xi32, #tpu.memory_space<hbm>>
        %dma_wait3A_67 = arith.constant 0 : i32
        %dma_wait3A_68 = tpu.memref_slice %arg3[%add3A_21, %dma_wait3A_67] : memref<5056x128xi32, #tpu.memory_space<hbm>> -> memref<79x128xi32, #tpu.memory_space<hbm>>
        tpu.wait_dma2 semaphore(%run_scoped3A : memref<!tpu.dma_semaphore, #tpu.memory_space<semaphore_mem>>) src(%dma_wait3A_68 : memref<79x128xi32, #tpu.memory_space<hbm>>) dst(%arg7 : memref<79x128xi32, #tpu.memory_space<vmem>>)
        tpu.yield
      }) : () -> ()
      "tpu.region"() ({
        %run_scoped3A = tpu.sem_alloc : memref<!tpu.dma_semaphore, #tpu.memory_space<semaphore_mem>>
        %dma_start3A_61 = arith.constant 0 : i32
        %dma_start3A_62 = tpu.memref_slice %arg4[%add3A_18, %dma_start3A_61] : memref<2528x128xi32, #tpu.memory_space<hbm>> -> memref<79x128xi32, #tpu.memory_space<hbm>>
        %dma_start3A_63 = arith.constant 0 : i32
        %dma_start3A_64 = tpu.memref_slice %arg4[%add3A_18, %dma_start3A_63] : memref<2528x128xi32, #tpu.memory_space<hbm>> -> memref<79x128xi32, #tpu.memory_space<hbm>>
        tpu.enqueue_dma source(%dma_start3A_64 : memref<79x128xi32, #tpu.memory_space<hbm>>) target(%arg8 : memref<79x128xi32, #tpu.memory_space<vmem>>) target_semaphore(%run_scoped3A : memref<!tpu.dma_semaphore, #tpu.memory_space<semaphore_mem>>)
        %dma_wait3A_65 = arith.constant 0 : i32
        %dma_wait3A_66 = tpu.memref_slice %arg4[%add3A_18, %dma_wait3A_65] : memref<2528x128xi32, #tpu.memory_space<hbm>> -> memref<79x128xi32, #tpu.memory_space<hbm>>
        %dma_wait3A_67 = arith.constant 0 : i32
        %dma_wait3A_68 = tpu.memref_slice %arg4[%add3A_18, %dma_wait3A_67] : memref<2528x128xi32, #tpu.memory_space<hbm>> -> memref<79x128xi32, #tpu.memory_space<hbm>>
        tpu.wait_dma2 semaphore(%run_scoped3A : memref<!tpu.dma_semaphore, #tpu.memory_space<semaphore_mem>>) src(%dma_wait3A_68 : memref<79x128xi32, #tpu.memory_space<hbm>>) dst(%arg8 : memref<79x128xi32, #tpu.memory_space<vmem>>)
        tpu.yield
      }) : () -> ()
      %dma_start3A = arith.constant 0 : i32
      %dma_start3A_22 = arith.constant 0 : i32
      %dma_start3A_23 = tpu.memref_slice %arg7[%dma_start3A, %dma_start3A_22] : memref<79x128xi32, #tpu.memory_space<vmem>> -> memref<1x128xi32, #tpu.memory_space<vmem>>
      %dma_start3A_24 = tpu.memref_squeeze %dma_start3A_23 : memref<1x128xi32, #tpu.memory_space<vmem>> -> memref<128xi32, #tpu.memory_space<vmem>>
      %dma_start3A_25 = arith.constant 0 : i32
      %dma_start3A_26 = arith.constant 0 : i32
      %dma_start3A_27 = tpu.memref_slice %arg2[%dma_start3A_25, %dma_start3A_26] : memref<40000x64xf32, #tpu.memory_space<hbm>> -> memref<40000x64xf32, #tpu.memory_space<hbm>>
      tpu.enqueue_indirect_dma source(%dma_start3A_27 : memref<40000x64xf32, #tpu.memory_space<hbm>>) target(%arg9 : memref<128x64xf32, #tpu.memory_space<vmem>>) offsets(%dma_start3A_24 : memref<128xi32, #tpu.memory_space<vmem>>) semaphore(%arg13 : memref<!tpu.dma_semaphore, #tpu.memory_space<semaphore_mem>>)
      %dma_start3A_28 = arith.constant 1 : i32
      %dma_start3A_29 = arith.constant 0 : i32
      %dma_start3A_30 = tpu.memref_slice %arg7[%dma_start3A_28, %dma_start3A_29] : memref<79x128xi32, #tpu.memory_space<vmem>> -> memref<1x128xi32, #tpu.memory_space<vmem>>
      %dma_start3A_31 = tpu.memref_squeeze %dma_start3A_30 : memref<1x128xi32, #tpu.memory_space<vmem>> -> memref<128xi32, #tpu.memory_space<vmem>>
      %dma_start3A_32 = arith.constant 0 : i32
      %dma_start3A_33 = arith.constant 0 : i32
      %dma_start3A_34 = tpu.memref_slice %arg2[%dma_start3A_32, %dma_start3A_33] : memref<40000x64xf32, #tpu.memory_space<hbm>> -> memref<40000x64xf32, #tpu.memory_space<hbm>>
      tpu.enqueue_indirect_dma source(%dma_start3A_34 : memref<40000x64xf32, #tpu.memory_space<hbm>>) target(%arg10 : memref<128x64xf32, #tpu.memory_space<vmem>>) offsets(%dma_start3A_31 : memref<128xi32, #tpu.memory_space<vmem>>) semaphore(%arg14 : memref<!tpu.dma_semaphore, #tpu.memory_space<semaphore_mem>>)
      %scan3A_35 = arith.constant 0 : i32
      %scan3A_36 = arith.constant 0 : i32
      %scan3A_37 = arith.constant 79 : i32
      %scan3A_38 = arith.addi %scan3A_36, %scan3A_37 : i32
      %scan3A_39 = arith.constant 1 : i32
      scf.for %scan3A_61 = %scan3A_36 to %scan3A_38 step %scan3A_39  : i32 {
        %add3A_62 = arith.constant 2 : i32
        %add3A_63 = arith.addi %scan3A_61, %add3A_62 : i32
        %jit3A = arith.constant 3 : i32
        %eq3A = arith.constant 0 : i32
        %eq3A_64 = arith.cmpi eq, %jit3A, %eq3A : i32
        %jit3A_65 = arith.constant 1 : i32
        %select_n3A = arith.select %eq3A_64, %jit3A_65, %jit3A : i32
        %rem3A = arith.remsi %scan3A_61, %select_n3A : i32
        %ne3A = arith.constant 0 : i32
        %ne3A_66 = arith.cmpi ne, %rem3A, %ne3A : i32
        %lt3A = arith.constant 0 : i32
        %lt3A_67 = arith.cmpi slt, %rem3A, %lt3A : i32
        %lt3A_68 = arith.constant 0 : i32
        %lt3A_69 = arith.cmpi slt, %select_n3A, %lt3A_68 : i32
        %ne3A_70 = arith.xori %lt3A_67, %lt3A_69 : i1
        %and3A = arith.andi %ne3A_70, %ne3A_66 : i1
        %add3A_71 = arith.addi %rem3A, %select_n3A : i32
        %select_n3A_72 = arith.select %and3A, %add3A_71, %rem3A : i32
        %eq3A_73 = arith.constant 0 : i32
        %eq3A_74 = arith.cmpi eq, %select_n3A_72, %eq3A_73 : i32
        %convert_element_type3A = arith.extui %eq3A_74 : i1 to i32
        %cond3A = arith.constant 0 : i32
        %cond3A_75 = arith.cmpi ne, %convert_element_type3A, %cond3A : i32
        scf.if %cond3A_75 {
          %dma_wait3A_118 = arith.constant 0 : i32
          %dma_wait3A_119 = tpu.memref_slice %arg7[%scan3A_61, %dma_wait3A_118] : memref<79x128xi32, #tpu.memory_space<vmem>> -> memref<1x128xi32, #tpu.memory_space<vmem>>
          %dma_wait3A_120 = tpu.memref_squeeze %dma_wait3A_119 : memref<1x128xi32, #tpu.memory_space<vmem>> -> memref<128xi32, #tpu.memory_space<vmem>>
          %dma_wait3A_121 = arith.constant 0 : i32
          %dma_wait3A_122 = arith.constant 0 : i32
          %dma_wait3A_123 = tpu.memref_slice %arg2[%dma_wait3A_121, %dma_wait3A_122] : memref<40000x64xf32, #tpu.memory_space<hbm>> -> memref<40000x64xf32, #tpu.memory_space<hbm>>
          tpu.wait_indirect_dma semaphore(%arg13 : memref<!tpu.dma_semaphore, #tpu.memory_space<semaphore_mem>>) src(%dma_wait3A_123 : memref<40000x64xf32, #tpu.memory_space<hbm>>) dst(%arg9 : memref<128x64xf32, #tpu.memory_space<vmem>>)
          %dma_start3A_124 = arith.constant 0 : i32
          %dma_start3A_125 = tpu.memref_slice %arg8[%scan3A_61, %dma_start3A_124] : memref<79x128xi32, #tpu.memory_space<vmem>> -> memref<1x128xi32, #tpu.memory_space<vmem>>
          %dma_start3A_126 = tpu.memref_squeeze %dma_start3A_125 : memref<1x128xi32, #tpu.memory_space<vmem>> -> memref<128xi32, #tpu.memory_space<vmem>>
          %dma_start3A_127 = arith.constant 0 : i32
          %dma_start3A_128 = arith.constant 0 : i32
          %dma_start3A_129 = tpu.memref_slice %arg12[%dma_start3A_127, %dma_start3A_128] : memref<20480x64xf32, #tpu.memory_space<vmem_shared>> -> memref<20480x64xf32, #tpu.memory_space<vmem_shared>>
          tpu.enqueue_indirect_dma source(%arg9 : memref<128x64xf32, #tpu.memory_space<vmem>>) target(%dma_start3A_129 : memref<20480x64xf32, #tpu.memory_space<vmem_shared>>) offsets(%dma_start3A_126 : memref<128xi32, #tpu.memory_space<vmem>>) semaphore(%arg16 : memref<!tpu.dma_semaphore, #tpu.memory_space<semaphore_mem>>) {add = true}
          %lt3A_130 = arith.constant 79 : i32
          %lt3A_131 = arith.cmpi slt, %add3A_63, %lt3A_130 : i32
          %convert_element_type3A_132 = arith.extui %lt3A_131 : i1 to i32
          %cond3A_133 = arith.constant 0 : i32
          %cond3A_134 = arith.cmpi ne, %convert_element_type3A_132, %cond3A_133 : i32
          scf.if %cond3A_134 {
            %ge3A = arith.constant 1 : i32
            %ge3A_135 = arith.cmpi sge, %scan3A_61, %ge3A : i32
            %convert_element_type3A_136 = arith.extui %ge3A_135 : i1 to i32
            %cond3A_137 = arith.constant 0 : i32
            %cond3A_138 = arith.cmpi ne, %convert_element_type3A_136, %cond3A_137 : i32
            scf.if %cond3A_138 {
              %sub3A = arith.constant 1 : i32
              %sub3A_145 = arith.subi %scan3A_61, %sub3A : i32
              %dma_wait3A_146 = arith.constant 0 : i32
              %dma_wait3A_147 = tpu.memref_slice %arg8[%sub3A_145, %dma_wait3A_146] : memref<79x128xi32, #tpu.memory_space<vmem>> -> memref<1x128xi32, #tpu.memory_space<vmem>>
              %dma_wait3A_148 = tpu.memref_squeeze %dma_wait3A_147 : memref<1x128xi32, #tpu.memory_space<vmem>> -> memref<128xi32, #tpu.memory_space<vmem>>
              %dma_wait3A_149 = arith.constant 0 : i32
              %dma_wait3A_150 = arith.constant 0 : i32
              %dma_wait3A_151 = tpu.memref_slice %arg12[%dma_wait3A_149, %dma_wait3A_150] : memref<20480x64xf32, #tpu.memory_space<vmem_shared>> -> memref<20480x64xf32, #tpu.memory_space<vmem_shared>>
              tpu.wait_indirect_dma semaphore(%arg18 : memref<!tpu.dma_semaphore, #tpu.memory_space<semaphore_mem>>) src(%arg11 : memref<128x64xf32, #tpu.memory_space<vmem>>) dst(%dma_wait3A_151 : memref<20480x64xf32, #tpu.memory_space<vmem_shared>>)
            } else {
            }
            %dma_start3A_139 = arith.constant 0 : i32
            %dma_start3A_140 = tpu.memref_slice %arg7[%add3A_63, %dma_start3A_139] : memref<79x128xi32, #tpu.memory_space<vmem>> -> memref<1x128xi32, #tpu.memory_space<vmem>>
            %dma_start3A_141 = tpu.memref_squeeze %dma_start3A_140 : memref<1x128xi32, #tpu.memory_space<vmem>> -> memref<128xi32, #tpu.memory_space<vmem>>
            %dma_start3A_142 = arith.constant 0 : i32
            %dma_start3A_143 = arith.constant 0 : i32
            %dma_start3A_144 = tpu.memref_slice %arg2[%dma_start3A_142, %dma_start3A_143] : memref<40000x64xf32, #tpu.memory_space<hbm>> -> memref<40000x64xf32, #tpu.memory_space<hbm>>
            tpu.enqueue_indirect_dma source(%dma_start3A_144 : memref<40000x64xf32, #tpu.memory_space<hbm>>) target(%arg11 : memref<128x64xf32, #tpu.memory_space<vmem>>) offsets(%dma_start3A_141 : memref<128xi32, #tpu.memory_space<vmem>>) semaphore(%arg15 : memref<!tpu.dma_semaphore, #tpu.memory_space<semaphore_mem>>)
          } else {
          }
        } else {
        }
        %jit3A_76 = arith.constant 3 : i32
        %eq3A_77 = arith.constant 0 : i32
        %eq3A_78 = arith.cmpi eq, %jit3A_76, %eq3A_77 : i32
        %jit3A_79 = arith.constant 1 : i32
        %select_n3A_80 = arith.select %eq3A_78, %jit3A_79, %jit3A_76 : i32
        %rem3A_81 = arith.remsi %scan3A_61, %select_n3A_80 : i32
        %ne3A_82 = arith.constant 0 : i32
        %ne3A_83 = arith.cmpi ne, %rem3A_81, %ne3A_82 : i32
        %lt3A_84 = arith.constant 0 : i32
        %lt3A_85 = arith.cmpi slt, %rem3A_81, %lt3A_84 : i32
        %lt3A_86 = arith.constant 0 : i32
        %lt3A_87 = arith.cmpi slt, %select_n3A_80, %lt3A_86 : i32
        %ne3A_88 = arith.xori %lt3A_85, %lt3A_87 : i1
        %and3A_89 = arith.andi %ne3A_88, %ne3A_83 : i1
        %add3A_90 = arith.addi %rem3A_81, %select_n3A_80 : i32
        %select_n3A_91 = arith.select %and3A_89, %add3A_90, %rem3A_81 : i32
        %eq3A_92 = arith.constant 1 : i32
        %eq3A_93 = arith.cmpi eq, %select_n3A_91, %eq3A_92 : i32
        %convert_element_type3A_94 = arith.extui %eq3A_93 : i1 to i32
        %cond3A_95 = arith.constant 0 : i32
        %cond3A_96 = arith.cmpi ne, %convert_element_type3A_94, %cond3A_95 : i32
        scf.if %cond3A_96 {
          %dma_wait3A_118 = arith.constant 0 : i32
          %dma_wait3A_119 = tpu.memref_slice %arg7[%scan3A_61, %dma_wait3A_118] : memref<79x128xi32, #tpu.memory_space<vmem>> -> memref<1x128xi32, #tpu.memory_space<vmem>>
          %dma_wait3A_120 = tpu.memref_squeeze %dma_wait3A_119 : memref<1x128xi32, #tpu.memory_space<vmem>> -> memref<128xi32, #tpu.memory_space<vmem>>
          %dma_wait3A_121 = arith.constant 0 : i32
          %dma_wait3A_122 = arith.constant 0 : i32
          %dma_wait3A_123 = tpu.memref_slice %arg2[%dma_wait3A_121, %dma_wait3A_122] : memref<40000x64xf32, #tpu.memory_space<hbm>> -> memref<40000x64xf32, #tpu.memory_space<hbm>>
          tpu.wait_indirect_dma semaphore(%arg14 : memref<!tpu.dma_semaphore, #tpu.memory_space<semaphore_mem>>) src(%dma_wait3A_123 : memref<40000x64xf32, #tpu.memory_space<hbm>>) dst(%arg10 : memref<128x64xf32, #tpu.memory_space<vmem>>)
          %dma_start3A_124 = arith.constant 0 : i32
          %dma_start3A_125 = tpu.memref_slice %arg8[%scan3A_61, %dma_start3A_124] : memref<79x128xi32, #tpu.memory_space<vmem>> -> memref<1x128xi32, #tpu.memory_space<vmem>>
          %dma_start3A_126 = tpu.memref_squeeze %dma_start3A_125 : memref<1x128xi32, #tpu.memory_space<vmem>> -> memref<128xi32, #tpu.memory_space<vmem>>
          %dma_start3A_127 = arith.constant 0 : i32
          %dma_start3A_128 = arith.constant 0 : i32
          %dma_start3A_129 = tpu.memref_slice %arg12[%dma_start3A_127, %dma_start3A_128] : memref<20480x64xf32, #tpu.memory_space<vmem_shared>> -> memref<20480x64xf32, #tpu.memory_space<vmem_shared>>
          tpu.enqueue_indirect_dma source(%arg10 : memref<128x64xf32, #tpu.memory_space<vmem>>) target(%dma_start3A_129 : memref<20480x64xf32, #tpu.memory_space<vmem_shared>>) offsets(%dma_start3A_126 : memref<128xi32, #tpu.memory_space<vmem>>) semaphore(%arg17 : memref<!tpu.dma_semaphore, #tpu.memory_space<semaphore_mem>>) {add = true}
          %lt3A_130 = arith.constant 79 : i32
          %lt3A_131 = arith.cmpi slt, %add3A_63, %lt3A_130 : i32
          %convert_element_type3A_132 = arith.extui %lt3A_131 : i1 to i32
          %cond3A_133 = arith.constant 0 : i32
          %cond3A_134 = arith.cmpi ne, %convert_element_type3A_132, %cond3A_133 : i32
          scf.if %cond3A_134 {
            %ge3A = arith.constant 1 : i32
            %ge3A_135 = arith.cmpi sge, %scan3A_61, %ge3A : i32
            %convert_element_type3A_136 = arith.extui %ge3A_135 : i1 to i32
            %cond3A_137 = arith.constant 0 : i32
            %cond3A_138 = arith.cmpi ne, %convert_element_type3A_136, %cond3A_137 : i32
            scf.if %cond3A_138 {
              %sub3A = arith.constant 1 : i32
              %sub3A_145 = arith.subi %scan3A_61, %sub3A : i32
              %dma_wait3A_146 = arith.constant 0 : i32
              %dma_wait3A_147 = tpu.memref_slice %arg8[%sub3A_145, %dma_wait3A_146] : memref<79x128xi32, #tpu.memory_space<vmem>> -> memref<1x128xi32, #tpu.memory_space<vmem>>
              %dma_wait3A_148 = tpu.memref_squeeze %dma_wait3A_147 : memref<1x128xi32, #tpu.memory_space<vmem>> -> memref<128xi32, #tpu.memory_space<vmem>>
              %dma_wait3A_149 = arith.constant 0 : i32
              %dma_wait3A_150 = arith.constant 0 : i32
              %dma_wait3A_151 = tpu.memref_slice %arg12[%dma_wait3A_149, %dma_wait3A_150] : memref<20480x64xf32, #tpu.memory_space<vmem_shared>> -> memref<20480x64xf32, #tpu.memory_space<vmem_shared>>
              tpu.wait_indirect_dma semaphore(%arg16 : memref<!tpu.dma_semaphore, #tpu.memory_space<semaphore_mem>>) src(%arg9 : memref<128x64xf32, #tpu.memory_space<vmem>>) dst(%dma_wait3A_151 : memref<20480x64xf32, #tpu.memory_space<vmem_shared>>)
            } else {
            }
            %dma_start3A_139 = arith.constant 0 : i32
            %dma_start3A_140 = tpu.memref_slice %arg7[%add3A_63, %dma_start3A_139] : memref<79x128xi32, #tpu.memory_space<vmem>> -> memref<1x128xi32, #tpu.memory_space<vmem>>
            %dma_start3A_141 = tpu.memref_squeeze %dma_start3A_140 : memref<1x128xi32, #tpu.memory_space<vmem>> -> memref<128xi32, #tpu.memory_space<vmem>>
            %dma_start3A_142 = arith.constant 0 : i32
            %dma_start3A_143 = arith.constant 0 : i32
            %dma_start3A_144 = tpu.memref_slice %arg2[%dma_start3A_142, %dma_start3A_143] : memref<40000x64xf32, #tpu.memory_space<hbm>> -> memref<40000x64xf32, #tpu.memory_space<hbm>>
            tpu.enqueue_indirect_dma source(%dma_start3A_144 : memref<40000x64xf32, #tpu.memory_space<hbm>>) target(%arg9 : memref<128x64xf32, #tpu.memory_space<vmem>>) offsets(%dma_start3A_141 : memref<128xi32, #tpu.memory_space<vmem>>) semaphore(%arg13 : memref<!tpu.dma_semaphore, #tpu.memory_space<semaphore_mem>>)
          } else {
          }
        } else {
        }
        %jit3A_97 = arith.constant 3 : i32
        %eq3A_98 = arith.constant 0 : i32
        %eq3A_99 = arith.cmpi eq, %jit3A_97, %eq3A_98 : i32
        %jit3A_100 = arith.constant 1 : i32
        %select_n3A_101 = arith.select %eq3A_99, %jit3A_100, %jit3A_97 : i32
        %rem3A_102 = arith.remsi %scan3A_61, %select_n3A_101 : i32
        %ne3A_103 = arith.constant 0 : i32
        %ne3A_104 = arith.cmpi ne, %rem3A_102, %ne3A_103 : i32
        %lt3A_105 = arith.constant 0 : i32
        %lt3A_106 = arith.cmpi slt, %rem3A_102, %lt3A_105 : i32
        %lt3A_107 = arith.constant 0 : i32
        %lt3A_108 = arith.cmpi slt, %select_n3A_101, %lt3A_107 : i32
        %ne3A_109 = arith.xori %lt3A_106, %lt3A_108 : i1
        %and3A_110 = arith.andi %ne3A_109, %ne3A_104 : i1
        %add3A_111 = arith.addi %rem3A_102, %select_n3A_101 : i32
        %select_n3A_112 = arith.select %and3A_110, %add3A_111, %rem3A_102 : i32
        %eq3A_113 = arith.constant 2 : i32
        %eq3A_114 = arith.cmpi eq, %select_n3A_112, %eq3A_113 : i32
        %convert_element_type3A_115 = arith.extui %eq3A_114 : i1 to i32
        %cond3A_116 = arith.constant 0 : i32
        %cond3A_117 = arith.cmpi ne, %convert_element_type3A_115, %cond3A_116 : i32
        scf.if %cond3A_117 {
          %dma_wait3A_118 = arith.constant 0 : i32
          %dma_wait3A_119 = tpu.memref_slice %arg7[%scan3A_61, %dma_wait3A_118] : memref<79x128xi32, #tpu.memory_space<vmem>> -> memref<1x128xi32, #tpu.memory_space<vmem>>
          %dma_wait3A_120 = tpu.memref_squeeze %dma_wait3A_119 : memref<1x128xi32, #tpu.memory_space<vmem>> -> memref<128xi32, #tpu.memory_space<vmem>>
          %dma_wait3A_121 = arith.constant 0 : i32
          %dma_wait3A_122 = arith.constant 0 : i32
          %dma_wait3A_123 = tpu.memref_slice %arg2[%dma_wait3A_121, %dma_wait3A_122] : memref<40000x64xf32, #tpu.memory_space<hbm>> -> memref<40000x64xf32, #tpu.memory_space<hbm>>
          tpu.wait_indirect_dma semaphore(%arg15 : memref<!tpu.dma_semaphore, #tpu.memory_space<semaphore_mem>>) src(%dma_wait3A_123 : memref<40000x64xf32, #tpu.memory_space<hbm>>) dst(%arg11 : memref<128x64xf32, #tpu.memory_space<vmem>>)
          %dma_start3A_124 = arith.constant 0 : i32
          %dma_start3A_125 = tpu.memref_slice %arg8[%scan3A_61, %dma_start3A_124] : memref<79x128xi32, #tpu.memory_space<vmem>> -> memref<1x128xi32, #tpu.memory_space<vmem>>
          %dma_start3A_126 = tpu.memref_squeeze %dma_start3A_125 : memref<1x128xi32, #tpu.memory_space<vmem>> -> memref<128xi32, #tpu.memory_space<vmem>>
          %dma_start3A_127 = arith.constant 0 : i32
          %dma_start3A_128 = arith.constant 0 : i32
          %dma_start3A_129 = tpu.memref_slice %arg12[%dma_start3A_127, %dma_start3A_128] : memref<20480x64xf32, #tpu.memory_space<vmem_shared>> -> memref<20480x64xf32, #tpu.memory_space<vmem_shared>>
          tpu.enqueue_indirect_dma source(%arg11 : memref<128x64xf32, #tpu.memory_space<vmem>>) target(%dma_start3A_129 : memref<20480x64xf32, #tpu.memory_space<vmem_shared>>) offsets(%dma_start3A_126 : memref<128xi32, #tpu.memory_space<vmem>>) semaphore(%arg18 : memref<!tpu.dma_semaphore, #tpu.memory_space<semaphore_mem>>) {add = true}
          %lt3A_130 = arith.constant 79 : i32
          %lt3A_131 = arith.cmpi slt, %add3A_63, %lt3A_130 : i32
          %convert_element_type3A_132 = arith.extui %lt3A_131 : i1 to i32
          %cond3A_133 = arith.constant 0 : i32
          %cond3A_134 = arith.cmpi ne, %convert_element_type3A_132, %cond3A_133 : i32
          scf.if %cond3A_134 {
            %ge3A = arith.constant 1 : i32
            %ge3A_135 = arith.cmpi sge, %scan3A_61, %ge3A : i32
            %convert_element_type3A_136 = arith.extui %ge3A_135 : i1 to i32
            %cond3A_137 = arith.constant 0 : i32
            %cond3A_138 = arith.cmpi ne, %convert_element_type3A_136, %cond3A_137 : i32
            scf.if %cond3A_138 {
              %sub3A = arith.constant 1 : i32
              %sub3A_145 = arith.subi %scan3A_61, %sub3A : i32
              %dma_wait3A_146 = arith.constant 0 : i32
              %dma_wait3A_147 = tpu.memref_slice %arg8[%sub3A_145, %dma_wait3A_146] : memref<79x128xi32, #tpu.memory_space<vmem>> -> memref<1x128xi32, #tpu.memory_space<vmem>>
              %dma_wait3A_148 = tpu.memref_squeeze %dma_wait3A_147 : memref<1x128xi32, #tpu.memory_space<vmem>> -> memref<128xi32, #tpu.memory_space<vmem>>
              %dma_wait3A_149 = arith.constant 0 : i32
              %dma_wait3A_150 = arith.constant 0 : i32
              %dma_wait3A_151 = tpu.memref_slice %arg12[%dma_wait3A_149, %dma_wait3A_150] : memref<20480x64xf32, #tpu.memory_space<vmem_shared>> -> memref<20480x64xf32, #tpu.memory_space<vmem_shared>>
              tpu.wait_indirect_dma semaphore(%arg17 : memref<!tpu.dma_semaphore, #tpu.memory_space<semaphore_mem>>) src(%arg10 : memref<128x64xf32, #tpu.memory_space<vmem>>) dst(%dma_wait3A_151 : memref<20480x64xf32, #tpu.memory_space<vmem_shared>>)
            } else {
            }
            %dma_start3A_139 = arith.constant 0 : i32
            %dma_start3A_140 = tpu.memref_slice %arg7[%add3A_63, %dma_start3A_139] : memref<79x128xi32, #tpu.memory_space<vmem>> -> memref<1x128xi32, #tpu.memory_space<vmem>>
            %dma_start3A_141 = tpu.memref_squeeze %dma_start3A_140 : memref<1x128xi32, #tpu.memory_space<vmem>> -> memref<128xi32, #tpu.memory_space<vmem>>
            %dma_start3A_142 = arith.constant 0 : i32
            %dma_start3A_143 = arith.constant 0 : i32
            %dma_start3A_144 = tpu.memref_slice %arg2[%dma_start3A_142, %dma_start3A_143] : memref<40000x64xf32, #tpu.memory_space<hbm>> -> memref<40000x64xf32, #tpu.memory_space<hbm>>
            tpu.enqueue_indirect_dma source(%dma_start3A_144 : memref<40000x64xf32, #tpu.memory_space<hbm>>) target(%arg10 : memref<128x64xf32, #tpu.memory_space<vmem>>) offsets(%dma_start3A_141 : memref<128xi32, #tpu.memory_space<vmem>>) semaphore(%arg14 : memref<!tpu.dma_semaphore, #tpu.memory_space<semaphore_mem>>)
          } else {
          }
        } else {
        }
      }
      %scan3A_40 = arith.constant 79 : i32
      %dma_wait3A = arith.constant 76 : i32
      %dma_wait3A_41 = arith.constant 0 : i32
      %dma_wait3A_42 = tpu.memref_slice %arg8[%dma_wait3A, %dma_wait3A_41] : memref<79x128xi32, #tpu.memory_space<vmem>> -> memref<1x128xi32, #tpu.memory_space<vmem>>
      %dma_wait3A_43 = tpu.memref_squeeze %dma_wait3A_42 : memref<1x128xi32, #tpu.memory_space<vmem>> -> memref<128xi32, #tpu.memory_space<vmem>>
      %dma_wait3A_44 = arith.constant 0 : i32
      %dma_wait3A_45 = arith.constant 0 : i32
      %dma_wait3A_46 = tpu.memref_slice %arg12[%dma_wait3A_44, %dma_wait3A_45] : memref<20480x64xf32, #tpu.memory_space<vmem_shared>> -> memref<20480x64xf32, #tpu.memory_space<vmem_shared>>
      tpu.wait_indirect_dma semaphore(%arg17 : memref<!tpu.dma_semaphore, #tpu.memory_space<semaphore_mem>>) src(%arg10 : memref<128x64xf32, #tpu.memory_space<vmem>>) dst(%dma_wait3A_46 : memref<20480x64xf32, #tpu.memory_space<vmem_shared>>)
      %dma_wait3A_47 = arith.constant 77 : i32
      %dma_wait3A_48 = arith.constant 0 : i32
      %dma_wait3A_49 = tpu.memref_slice %arg8[%dma_wait3A_47, %dma_wait3A_48] : memref<79x128xi32, #tpu.memory_space<vmem>> -> memref<1x128xi32, #tpu.memory_space<vmem>>
      %dma_wait3A_50 = tpu.memref_squeeze %dma_wait3A_49 : memref<1x128xi32, #tpu.memory_space<vmem>> -> memref<128xi32, #tpu.memory_space<vmem>>
      %dma_wait3A_51 = arith.constant 0 : i32
      %dma_wait3A_52 = arith.constant 0 : i32
      %dma_wait3A_53 = tpu.memref_slice %arg12[%dma_wait3A_51, %dma_wait3A_52] : memref<20480x64xf32, #tpu.memory_space<vmem_shared>> -> memref<20480x64xf32, #tpu.memory_space<vmem_shared>>
      tpu.wait_indirect_dma semaphore(%arg18 : memref<!tpu.dma_semaphore, #tpu.memory_space<semaphore_mem>>) src(%arg11 : memref<128x64xf32, #tpu.memory_space<vmem>>) dst(%dma_wait3A_53 : memref<20480x64xf32, #tpu.memory_space<vmem_shared>>)
      %dma_wait3A_54 = arith.constant 78 : i32
      %dma_wait3A_55 = arith.constant 0 : i32
      %dma_wait3A_56 = tpu.memref_slice %arg8[%dma_wait3A_54, %dma_wait3A_55] : memref<79x128xi32, #tpu.memory_space<vmem>> -> memref<1x128xi32, #tpu.memory_space<vmem>>
      %dma_wait3A_57 = tpu.memref_squeeze %dma_wait3A_56 : memref<1x128xi32, #tpu.memory_space<vmem>> -> memref<128xi32, #tpu.memory_space<vmem>>
      %dma_wait3A_58 = arith.constant 0 : i32
      %dma_wait3A_59 = arith.constant 0 : i32
      %dma_wait3A_60 = tpu.memref_slice %arg12[%dma_wait3A_58, %dma_wait3A_59] : memref<20480x64xf32, #tpu.memory_space<vmem_shared>> -> memref<20480x64xf32, #tpu.memory_space<vmem_shared>>
      tpu.wait_indirect_dma semaphore(%arg16 : memref<!tpu.dma_semaphore, #tpu.memory_space<semaphore_mem>>) src(%arg9 : memref<128x64xf32, #tpu.memory_space<vmem>>) dst(%dma_wait3A_60 : memref<20480x64xf32, #tpu.memory_space<vmem_shared>>)
    }
    %scan3A_5 = arith.constant 2 : i32
    %barrier3A_6 = arith.constant 0 : index
    tpu.barrier barrier_id(%barrier3A_6)
    %mul3A_7 = arith.constant 1280 : i32
    %mul3A_8 = arith.muli %arg1, %mul3A_7 : i32
    %mul3A_9 = arith.constant 20480 : i32
    %mul3A_10 = arith.muli %arg0, %mul3A_9 : i32
    %mul3A_11 = arith.constant 1280 : i32
    %mul3A_12 = arith.muli %arg1, %mul3A_11 : i32
    %add3A = arith.addi %mul3A_10, %mul3A_12 : i32
    "tpu.region"() ({
      %run_scoped3A = tpu.sem_alloc : memref<!tpu.dma_semaphore, #tpu.memory_space<semaphore_mem>>
      %dma_start3A = arith.constant 0 : i32
      %dma_start3A_13 = tpu.memref_slice %arg6[%add3A, %dma_start3A] : memref<40960x64xf32, #tpu.memory_space<hbm>> -> memref<1280x64xf32, #tpu.memory_space<hbm>>
      %dma_start3A_14 = arith.constant 0 : i32
      %dma_start3A_15 = tpu.memref_slice %arg12[%mul3A_8, %dma_start3A_14] : memref<20480x64xf32, #tpu.memory_space<vmem_shared>> -> memref<1280x64xf32, #tpu.memory_space<vmem_shared>>
      tpu.enqueue_dma source(%dma_start3A_15 : memref<1280x64xf32, #tpu.memory_space<vmem_shared>>) target(%dma_start3A_13 : memref<1280x64xf32, #tpu.memory_space<hbm>>) target_semaphore(%run_scoped3A : memref<!tpu.dma_semaphore, #tpu.memory_space<semaphore_mem>>)
      %dma_wait3A = arith.constant 0 : i32
      %dma_wait3A_16 = tpu.memref_slice %arg6[%add3A, %dma_wait3A] : memref<40960x64xf32, #tpu.memory_space<hbm>> -> memref<1280x64xf32, #tpu.memory_space<hbm>>
      %dma_wait3A_17 = arith.constant 0 : i32
      %dma_wait3A_18 = tpu.memref_slice %arg12[%mul3A_8, %dma_wait3A_17] : memref<20480x64xf32, #tpu.memory_space<vmem_shared>> -> memref<1280x64xf32, #tpu.memory_space<vmem_shared>>
      tpu.wait_dma2 semaphore(%run_scoped3A : memref<!tpu.dma_semaphore, #tpu.memory_space<semaphore_mem>>) src(%dma_wait3A_18 : memref<1280x64xf32, #tpu.memory_space<vmem_shared>>) dst(%dma_wait3A_16 : memref<1280x64xf32, #tpu.memory_space<hbm>>)
      tpu.yield
    }) : () -> ()
    return
  }
}

module attributes {stable_mosaic.version = 14 : i64} {
  func.func @_idx_body(%arg0: memref<2528x128xi32, #tpu.memory_space<vmem>>, %arg1: memref<2528x128xi32, #tpu.memory_space<vmem>>, %arg2: memref<2528x128xf32, #tpu.memory_space<vmem>>, %arg3: memref<2528x128xi32, #tpu.memory_space<vmem>>, %arg4: memref<2x2528x128xi32, #tpu.memory_space<vmem>>) attributes {dimension_semantics = [], scalar_prefetch = 0 : i64, scratch_operands = 0 : i64, tpu.core_type = #tpu.core_type<tc>} {
    %get3A = arith.constant 0 : index
    %get3A_0 = arith.constant 0 : index
    %get3A_1 = vector.load %arg0[%get3A, %get3A_0] : memref<2528x128xi32, #tpu.memory_space<vmem>>, vector<2528x128xi32>
    %get3A_2 = arith.constant 0 : index
    %get3A_3 = arith.constant 0 : index
    %get3A_4 = vector.load %arg1[%get3A_2, %get3A_3] : memref<2528x128xi32, #tpu.memory_space<vmem>>, vector<2528x128xi32>
    %get3A_5 = arith.constant 0 : index
    %get3A_6 = arith.constant 0 : index
    %get3A_7 = vector.load %arg2[%get3A_5, %get3A_6] : memref<2528x128xf32, #tpu.memory_space<vmem>>, vector<2528x128xf32>
    %lt3A = arith.constant 0.000000e+00 : f32
    %lt3A_8 = vector.broadcast %lt3A : f32 to vector<2528x128xf32>
    %lt3A_9 = arith.cmpf olt, %get3A_7, %lt3A_8 : vector<2528x128xf32>
    %jit3A = arith.constant 10000 : i32
    %jit3A_10 = arith.constant 0 : i32
    %broadcast_in_dim3A = vector.broadcast %jit3A : i32 to vector<2528x128xi32>
    %broadcast_in_dim3A_11 = vector.broadcast %jit3A_10 : i32 to vector<2528x128xi32>
    %select_n3A = arith.select %lt3A_9, %broadcast_in_dim3A, %broadcast_in_dim3A_11 : vector<2528x128xi1>, vector<2528x128xi32>
    %eq3A = arith.constant 0.000000e+00 : f32
    %eq3A_12 = vector.broadcast %eq3A : f32 to vector<2528x128xf32>
    %eq3A_13 = arith.cmpf oeq, %get3A_7, %eq3A_12 : vector<2528x128xf32>
    %add3A = arith.addi %get3A_1, %select_n3A : vector<2528x128xi32>
    %jit3A_14 = arith.constant 0 : i32
    %broadcast_in_dim3A_15 = vector.broadcast %jit3A_14 : i32 to vector<2528x128xi32>
    %select_n3A_16 = arith.select %eq3A_13, %broadcast_in_dim3A_15, %add3A : vector<2528x128xi1>, vector<2528x128xi32>
    %add3A_17 = arith.addi %get3A_4, %select_n3A : vector<2528x128xi32>
    %jit3A_18 = arith.constant 20000 : i32
    %broadcast_in_dim3A_19 = vector.broadcast %jit3A_18 : i32 to vector<2528x128xi32>
    %select_n3A_20 = arith.select %eq3A_13, %broadcast_in_dim3A_19, %add3A_17 : vector<2528x128xi1>, vector<2528x128xi32>
    %swap3A = arith.constant 0 : index
    %swap3A_21 = arith.constant 0 : index
    %swap3A_22 = vector.load %arg3[%swap3A, %swap3A_21] : memref<2528x128xi32, #tpu.memory_space<vmem>>, vector<2528x128xi32>
    tpu.vector_store %arg3[%swap3A, %swap3A_21], %select_n3A_20 {strides = array<i32>} : memref<2528x128xi32, #tpu.memory_space<vmem>>, vector<2528x128xi32>,
    %swap3A_23 = arith.constant 0 : index
    %swap3A_24 = arith.constant 0 : index
    %swap3A_25 = arith.constant 0 : index
    %swap3A_26 = vector.load %arg4[%swap3A_23, %swap3A_24, %swap3A_25] : memref<2x2528x128xi32, #tpu.memory_space<vmem>>, vector<1x2528x128xi32>
    %swap3A_27 = vector.shape_cast %swap3A_26 : vector<1x2528x128xi32> to vector<2528x128xi32>
    %swap3A_28 = vector.shape_cast %select_n3A_16 : vector<2528x128xi32> to vector<1x2528x128xi32>
    tpu.vector_store %arg4[%swap3A_23, %swap3A_24, %swap3A_25], %swap3A_28 {strides = array<i32>} : memref<2x2528x128xi32, #tpu.memory_space<vmem>>, vector<1x2528x128xi32>,
    %add3A_29 = arith.constant 20000 : i32
    %add3A_30 = vector.broadcast %add3A_29 : i32 to vector<2528x128xi32>
    %add3A_31 = arith.addi %select_n3A_16, %add3A_30 : vector<2528x128xi32>
    %swap3A_32 = arith.constant 1 : index
    %swap3A_33 = arith.constant 0 : index
    %swap3A_34 = arith.constant 0 : index
    %swap3A_35 = vector.load %arg4[%swap3A_32, %swap3A_33, %swap3A_34] : memref<2x2528x128xi32, #tpu.memory_space<vmem>>, vector<1x2528x128xi32>
    %swap3A_36 = vector.shape_cast %swap3A_35 : vector<1x2528x128xi32> to vector<2528x128xi32>
    %swap3A_37 = vector.shape_cast %add3A_31 : vector<2528x128xi32> to vector<1x2528x128xi32>
    tpu.vector_store %arg4[%swap3A_32, %swap3A_33, %swap3A_34], %swap3A_37 {strides = array<i32>} : memref<2x2528x128xi32, #tpu.memory_space<vmem>>, vector<1x2528x128xi32>,
    return
  }
}

module attributes {stable_mosaic.version = 14 : i64} {
  func.func @_prep_body(%arg0: i32, %arg1: i32, %arg2: i32, %arg3: memref<2000x128xf32, #tpu.memory_space<vmem>>, %arg4: memref<1x2000x16xf32, #tpu.memory_space<vmem>>, %arg5: memref<1x2000x16xf32, #tpu.memory_space<vmem>>, %arg6: memref<1x2000x16xf32, #tpu.memory_space<vmem>>, %arg7: memref<1x2000x16xf32, #tpu.memory_space<vmem>>, %arg8: memref<2000x1xf32, #tpu.memory_space<vmem>>, %arg9: memref<2000x1xf32, #tpu.memory_space<vmem>>, %arg10: memref<2000x64xf32, #tpu.memory_space<vmem>>) attributes {dimension_semantics = [#tpu.dimension_semantics<arbitrary>, #tpu.dimension_semantics<arbitrary>, #tpu.dimension_semantics<arbitrary>], iteration_bounds = array<i64: 2, 2, 5>, scalar_prefetch = 0 : i64, scratch_operands = 0 : i64, tpu.core_type = #tpu.core_type<tc>, window_params = [{transform_indices = @transform_0, window_bounds = array<i64: 2000, 128>}, {transform_indices = @transform_1, window_bounds = array<i64: 1, 2000, 16>}, {transform_indices = @transform_2, window_bounds = array<i64: 1, 2000, 16>}, {transform_indices = @transform_3, window_bounds = array<i64: 1, 2000, 16>}, {transform_indices = @transform_4, window_bounds = array<i64: 1, 2000, 16>}, {transform_indices = @transform_5, window_bounds = array<i64: 2000, 1>}, {transform_indices = @transform_6, window_bounds = array<i64: 2000, 1>}, {transform_indices = @transform_7, window_bounds = array<i64: 2000, 64>}]} {
    %get3A = arith.constant 0 : index
    %get3A_0 = arith.constant 0 : index
    %get3A_1 = arith.constant 0 : index
    %get3A_2 = vector.load %arg4[%get3A, %get3A_0, %get3A_1] : memref<1x2000x16xf32, #tpu.memory_space<vmem>>, vector<1x2000x16xf32>
    %get3A_3 = vector.shape_cast %get3A_2 : vector<1x2000x16xf32> to vector<2000x16xf32>
    %slice3A = vector.extract_strided_slice %get3A_3 {offsets = [0, 0], sizes = [2000, 1], strides = [1, 1]} : vector<2000x16xf32> to vector<2000x1xf32>
    %add3A = arith.constant 1.000000e+00 : f32
    %add3A_4 = vector.broadcast %add3A : f32 to vector<2000x1xf32>
    %add3A_5 = arith.addf %add3A_4, %slice3A : vector<2000x1xf32>
    %get3A_6 = arith.constant 0 : index
    %get3A_7 = arith.constant 0 : index
    %get3A_8 = arith.constant 0 : index
    %get3A_9 = vector.load %arg5[%get3A_6, %get3A_7, %get3A_8] : memref<1x2000x16xf32, #tpu.memory_space<vmem>>, vector<1x2000x16xf32>
    %get3A_10 = vector.shape_cast %get3A_9 : vector<1x2000x16xf32> to vector<2000x16xf32>
    %slice3A_11 = vector.extract_strided_slice %get3A_10 {offsets = [0, 0], sizes = [2000, 1], strides = [1, 1]} : vector<2000x16xf32> to vector<2000x1xf32>
    %add3A_12 = arith.addf %add3A_5, %slice3A_11 : vector<2000x1xf32>
    %rsqrt3A = math.rsqrt %add3A_12 : vector<2000x1xf32>
    %get3A_13 = arith.constant 0 : index
    %get3A_14 = arith.constant 0 : index
    %get3A_15 = arith.constant 0 : index
    %get3A_16 = vector.load %arg6[%get3A_13, %get3A_14, %get3A_15] : memref<1x2000x16xf32, #tpu.memory_space<vmem>>, vector<1x2000x16xf32>
    %get3A_17 = vector.shape_cast %get3A_16 : vector<1x2000x16xf32> to vector<2000x16xf32>
    %slice3A_18 = vector.extract_strided_slice %get3A_17 {offsets = [0, 0], sizes = [2000, 1], strides = [1, 1]} : vector<2000x16xf32> to vector<2000x1xf32>
    %add3A_19 = arith.constant 1.000000e+00 : f32
    %add3A_20 = vector.broadcast %add3A_19 : f32 to vector<2000x1xf32>
    %add3A_21 = arith.addf %add3A_20, %slice3A_18 : vector<2000x1xf32>
    %get3A_22 = arith.constant 0 : index
    %get3A_23 = arith.constant 0 : index
    %get3A_24 = arith.constant 0 : index
    %get3A_25 = vector.load %arg7[%get3A_22, %get3A_23, %get3A_24] : memref<1x2000x16xf32, #tpu.memory_space<vmem>>, vector<1x2000x16xf32>
    %get3A_26 = vector.shape_cast %get3A_25 : vector<1x2000x16xf32> to vector<2000x16xf32>
    %slice3A_27 = vector.extract_strided_slice %get3A_26 {offsets = [0, 0], sizes = [2000, 1], strides = [1, 1]} : vector<2000x16xf32> to vector<2000x1xf32>
    %add3A_28 = arith.addf %add3A_21, %slice3A_27 : vector<2000x1xf32>
    %rsqrt3A_29 = math.rsqrt %add3A_28 : vector<2000x1xf32>
    %swap3A = arith.constant 0 : index
    %swap3A_30 = arith.constant 0 : index
    %swap3A_31 = vector.load %arg8[%swap3A, %swap3A_30] : memref<2000x1xf32, #tpu.memory_space<vmem>>, vector<2000x1xf32>
    tpu.vector_store %arg8[%swap3A, %swap3A_30], %rsqrt3A {strides = array<i32>} : memref<2000x1xf32, #tpu.memory_space<vmem>>, vector<2000x1xf32>,
    %swap3A_32 = arith.constant 0 : index
    %swap3A_33 = arith.constant 0 : index
    %swap3A_34 = vector.load %arg9[%swap3A_32, %swap3A_33] : memref<2000x1xf32, #tpu.memory_space<vmem>>, vector<2000x1xf32>
    tpu.vector_store %arg9[%swap3A_32, %swap3A_33], %rsqrt3A_29 {strides = array<i32>} : memref<2000x1xf32, #tpu.memory_space<vmem>>, vector<2000x1xf32>,
    %get3A_35 = arith.constant 0 : index
    %get3A_36 = arith.constant 0 : index
    %get3A_37 = vector.load %arg3[%get3A_35, %get3A_36] : memref<2000x128xf32, #tpu.memory_space<vmem>>, vector<2000x128xf32>
    %eq3A = arith.constant 0 : i32
    %eq3A_38 = arith.cmpi eq, %arg0, %eq3A : i32
    %slice3A_39 = vector.extract_strided_slice %get3A_37 {offsets = [0, 0], sizes = [2000, 64], strides = [1, 1]} : vector<2000x128xf32> to vector<2000x64xf32>
    %slice3A_40 = vector.extract_strided_slice %get3A_37 {offsets = [0, 64], sizes = [2000, 64], strides = [1, 1]} : vector<2000x128xf32> to vector<2000x64xf32>
    %select_n3A = arith.select %eq3A_38, %slice3A_39, %slice3A_40 : vector<2000x64xf32>
    %eq3A_41 = arith.constant 0 : i32
    %eq3A_42 = arith.cmpi eq, %arg1, %eq3A_41 : i32
    %select_n3A_43 = arith.select %eq3A_42, %rsqrt3A, %rsqrt3A_29 : vector<2000x1xf32>
    %mul3A = vector.broadcast %select_n3A_43 : vector<2000x1xf32> to vector<2000x64xf32>
    %mul3A_44 = arith.mulf %mul3A, %select_n3A : vector<2000x64xf32>
    %swap3A_45 = arith.constant 0 : index
    %swap3A_46 = arith.constant 0 : index
    %swap3A_47 = vector.load %arg10[%swap3A_45, %swap3A_46] : memref<2000x64xf32, #tpu.memory_space<vmem>>, vector<2000x64xf32>
    tpu.vector_store %arg10[%swap3A_45, %swap3A_46], %mul3A_44 {strides = array<i32>} : memref<2000x64xf32, #tpu.memory_space<vmem>>, vector<2000x64xf32>,
    return
  }
  func.func @transform_0(%arg0: i32, %arg1: i32, %arg2: i32) -> (i32, i32) {
    %c0_i32 = arith.constant 0 : i32
    %c0_i32_0 = arith.constant 0 : i32
    return %arg2, %c0_i32 : i32, i32
  }
  func.func @transform_1(%arg0: i32, %arg1: i32, %arg2: i32) -> (i32, i32, i32) {
    %c0_i32 = arith.constant 0 : i32
    %c0_i32_0 = arith.constant 0 : i32
    %c0_i32_1 = arith.constant 0 : i32
    return %c0_i32, %arg2, %c0_i32_0 : i32, i32, i32
  }
  func.func @transform_2(%arg0: i32, %arg1: i32, %arg2: i32) -> (i32, i32, i32) {
    %c1_i32 = arith.constant 1 : i32
    %c0_i32 = arith.constant 0 : i32
    %c0_i32_0 = arith.constant 0 : i32
    return %c1_i32, %arg2, %c0_i32 : i32, i32, i32
  }
  func.func @transform_3(%arg0: i32, %arg1: i32, %arg2: i32) -> (i32, i32, i32) {
    %add3A = arith.constant 5 : i32
    %add3A_0 = arith.addi %add3A, %arg2 : i32
    %c0_i32 = arith.constant 0 : i32
    %c0_i32_1 = arith.constant 0 : i32
    %c0_i32_2 = arith.constant 0 : i32
    return %c0_i32, %add3A_0, %c0_i32_1 : i32, i32, i32
  }
  func.func @transform_4(%arg0: i32, %arg1: i32, %arg2: i32) -> (i32, i32, i32) {
    %add3A = arith.constant 5 : i32
    %add3A_0 = arith.addi %add3A, %arg2 : i32
    %c1_i32 = arith.constant 1 : i32
    %c0_i32 = arith.constant 0 : i32
    %c0_i32_1 = arith.constant 0 : i32
    return %c1_i32, %add3A_0, %c0_i32 : i32, i32, i32
  }
  func.func @transform_5(%arg0: i32, %arg1: i32, %arg2: i32) -> (i32, i32) {
    %c0_i32 = arith.constant 0 : i32
    %c0_i32_0 = arith.constant 0 : i32
    return %arg2, %c0_i32 : i32, i32
  }
  func.func @transform_6(%arg0: i32, %arg1: i32, %arg2: i32) -> (i32, i32) {
    %c0_i32 = arith.constant 0 : i32
    %c0_i32_0 = arith.constant 0 : i32
    return %arg2, %c0_i32 : i32, i32
  }
  func.func @transform_7(%arg0: i32, %arg1: i32, %arg2: i32) -> (i32, i32) {
    %mul3A = arith.constant 2 : i32
    %mul3A_0 = arith.muli %arg0, %mul3A : i32
    %mul3A_1 = arith.constant 5 : i32
    %mul3A_2 = arith.muli %mul3A_0, %mul3A_1 : i32
    %mul3A_3 = arith.constant 5 : i32
    %mul3A_4 = arith.muli %arg1, %mul3A_3 : i32
    %add3A = arith.addi %mul3A_2, %mul3A_4 : i32
    %add3A_5 = arith.addi %add3A, %arg2 : i32
    %c0_i32 = arith.constant 0 : i32
    %c0_i32_6 = arith.constant 0 : i32
    return %add3A_5, %c0_i32 : i32, i32
  }
}

module attributes {stable_mosaic.version = 14 : i64} {
  func.func @_combine_body(%arg0: i32, %arg1: i32, %arg2: memref<1x2000x64xf32, #tpu.memory_space<vmem>>, %arg3: memref<1x2000x64xf32, #tpu.memory_space<vmem>>, %arg4: memref<1x2000x64xf32, #tpu.memory_space<vmem>>, %arg5: memref<1x2000x64xf32, #tpu.memory_space<vmem>>, %arg6: memref<1x2000x64xf32, #tpu.memory_space<vmem>>, %arg7: memref<1x2000x64xf32, #tpu.memory_space<vmem>>, %arg8: memref<1x2000x64xf32, #tpu.memory_space<vmem>>, %arg9: memref<1x2000x64xf32, #tpu.memory_space<vmem>>, %arg10: memref<2000x1xf32, #tpu.memory_space<vmem>>, %arg11: memref<2000x1xf32, #tpu.memory_space<vmem>>, %arg12: memref<128x128xf32, #tpu.memory_space<vmem>>, %arg13: memref<1x128xf32, #tpu.memory_space<vmem>>, %arg14: memref<128x128xf32, #tpu.memory_space<vmem>>, %arg15: memref<1x128xf32, #tpu.memory_space<vmem>>, %arg16: memref<2000x128xf32, #tpu.memory_space<vmem>>) attributes {dimension_semantics = [#tpu.dimension_semantics<arbitrary>, #tpu.dimension_semantics<arbitrary>], iteration_bounds = array<i64: 2, 5>, scalar_prefetch = 0 : i64, scratch_operands = 0 : i64, tpu.core_type = #tpu.core_type<tc>, window_params = [{transform_indices = @transform_0, window_bounds = array<i64: 1, 2000, 64>}, {transform_indices = @transform_1, window_bounds = array<i64: 1, 2000, 64>}, {transform_indices = @transform_2, window_bounds = array<i64: 1, 2000, 64>}, {transform_indices = @transform_3, window_bounds = array<i64: 1, 2000, 64>}, {transform_indices = @transform_4, window_bounds = array<i64: 1, 2000, 64>}, {transform_indices = @transform_5, window_bounds = array<i64: 1, 2000, 64>}, {transform_indices = @transform_6, window_bounds = array<i64: 1, 2000, 64>}, {transform_indices = @transform_7, window_bounds = array<i64: 1, 2000, 64>}, {transform_indices = @transform_8, window_bounds = array<i64: 2000, 1>}, {transform_indices = @transform_9, window_bounds = array<i64: 2000, 1>}, {pipeline_mode = #tpu.pipeline_mode<synchronous>, transform_indices = @transform_10, window_bounds = array<i64: 128, 128>}, {pipeline_mode = #tpu.pipeline_mode<synchronous>, transform_indices = @transform_11, window_bounds = array<i64: 1, 128>}, {pipeline_mode = #tpu.pipeline_mode<synchronous>, transform_indices = @transform_12, window_bounds = array<i64: 128, 128>}, {pipeline_mode = #tpu.pipeline_mode<synchronous>, transform_indices = @transform_13, window_bounds = array<i64: 1, 128>}, {transform_indices = @transform_14, window_bounds = array<i64: 2000, 128>}]} {
    %get3A = arith.constant 0 : index
    %get3A_0 = arith.constant 0 : index
    %get3A_1 = vector.load %arg10[%get3A, %get3A_0] : memref<2000x1xf32, #tpu.memory_space<vmem>>, vector<2000x1xf32>
    %get3A_2 = arith.constant 0 : index
    %get3A_3 = arith.constant 0 : index
    %get3A_4 = vector.load %arg11[%get3A_2, %get3A_3] : memref<2000x1xf32, #tpu.memory_space<vmem>>, vector<2000x1xf32>
    %get3A_5 = arith.constant 0 : index
    %get3A_6 = arith.constant 0 : index
    %get3A_7 = arith.constant 0 : index
    %get3A_8 = vector.load %arg2[%get3A_5, %get3A_6, %get3A_7] : memref<1x2000x64xf32, #tpu.memory_space<vmem>>, vector<1x2000x64xf32>
    %get3A_9 = vector.shape_cast %get3A_8 : vector<1x2000x64xf32> to vector<2000x64xf32>
    %get3A_10 = arith.constant 0 : index
    %get3A_11 = arith.constant 0 : index
    %get3A_12 = arith.constant 0 : index
    %get3A_13 = vector.load %arg3[%get3A_10, %get3A_11, %get3A_12] : memref<1x2000x64xf32, #tpu.memory_space<vmem>>, vector<1x2000x64xf32>
    %get3A_14 = vector.shape_cast %get3A_13 : vector<1x2000x64xf32> to vector<2000x64xf32>
    %concatenate3A = tpu.concatenate %get3A_9, %get3A_14 in 1 : vector<2000x64xf32>, vector<2000x64xf32> -> vector<2000x128xf32>
    %get3A_15 = arith.constant 0 : index
    %get3A_16 = arith.constant 0 : index
    %get3A_17 = arith.constant 0 : index
    %get3A_18 = vector.load %arg4[%get3A_15, %get3A_16, %get3A_17] : memref<1x2000x64xf32, #tpu.memory_space<vmem>>, vector<1x2000x64xf32>
    %get3A_19 = vector.shape_cast %get3A_18 : vector<1x2000x64xf32> to vector<2000x64xf32>
    %get3A_20 = arith.constant 0 : index
    %get3A_21 = arith.constant 0 : index
    %get3A_22 = arith.constant 0 : index
    %get3A_23 = vector.load %arg5[%get3A_20, %get3A_21, %get3A_22] : memref<1x2000x64xf32, #tpu.memory_space<vmem>>, vector<1x2000x64xf32>
    %get3A_24 = vector.shape_cast %get3A_23 : vector<1x2000x64xf32> to vector<2000x64xf32>
    %concatenate3A_25 = tpu.concatenate %get3A_19, %get3A_24 in 1 : vector<2000x64xf32>, vector<2000x64xf32> -> vector<2000x128xf32>
    %get3A_26 = arith.constant 0 : index
    %get3A_27 = arith.constant 0 : index
    %get3A_28 = arith.constant 0 : index
    %get3A_29 = vector.load %arg6[%get3A_26, %get3A_27, %get3A_28] : memref<1x2000x64xf32, #tpu.memory_space<vmem>>, vector<1x2000x64xf32>
    %get3A_30 = vector.shape_cast %get3A_29 : vector<1x2000x64xf32> to vector<2000x64xf32>
    %get3A_31 = arith.constant 0 : index
    %get3A_32 = arith.constant 0 : index
    %get3A_33 = arith.constant 0 : index
    %get3A_34 = vector.load %arg7[%get3A_31, %get3A_32, %get3A_33] : memref<1x2000x64xf32, #tpu.memory_space<vmem>>, vector<1x2000x64xf32>
    %get3A_35 = vector.shape_cast %get3A_34 : vector<1x2000x64xf32> to vector<2000x64xf32>
    %concatenate3A_36 = tpu.concatenate %get3A_30, %get3A_35 in 1 : vector<2000x64xf32>, vector<2000x64xf32> -> vector<2000x128xf32>
    %get3A_37 = arith.constant 0 : index
    %get3A_38 = arith.constant 0 : index
    %get3A_39 = arith.constant 0 : index
    %get3A_40 = vector.load %arg8[%get3A_37, %get3A_38, %get3A_39] : memref<1x2000x64xf32, #tpu.memory_space<vmem>>, vector<1x2000x64xf32>
    %get3A_41 = vector.shape_cast %get3A_40 : vector<1x2000x64xf32> to vector<2000x64xf32>
    %get3A_42 = arith.constant 0 : index
    %get3A_43 = arith.constant 0 : index
    %get3A_44 = arith.constant 0 : index
    %get3A_45 = vector.load %arg9[%get3A_42, %get3A_43, %get3A_44] : memref<1x2000x64xf32, #tpu.memory_space<vmem>>, vector<1x2000x64xf32>
    %get3A_46 = vector.shape_cast %get3A_45 : vector<1x2000x64xf32> to vector<2000x64xf32>
    %concatenate3A_47 = tpu.concatenate %get3A_41, %get3A_46 in 1 : vector<2000x64xf32>, vector<2000x64xf32> -> vector<2000x128xf32>
    %add3A = arith.addf %concatenate3A, %concatenate3A_36 : vector<2000x128xf32>
    %mul3A = vector.broadcast %get3A_1 : vector<2000x1xf32> to vector<2000x128xf32>
    %mul3A_48 = arith.mulf %mul3A, %add3A : vector<2000x128xf32>
    %add3A_49 = arith.addf %concatenate3A_25, %concatenate3A_47 : vector<2000x128xf32>
    %mul3A_50 = vector.broadcast %get3A_4 : vector<2000x1xf32> to vector<2000x128xf32>
    %mul3A_51 = arith.mulf %mul3A_50, %add3A_49 : vector<2000x128xf32>
    %get3A_52 = arith.constant 0 : index
    %get3A_53 = arith.constant 0 : index
    %get3A_54 = vector.load %arg12[%get3A_52, %get3A_53] : memref<128x128xf32, #tpu.memory_space<vmem>>, vector<128x128xf32>
    %dot_general3A = arith.constant dense<0.000000e+00> : vector<2000x128xf32>
    %dot_general3A_55 = tpu.matmul %mul3A_48, %get3A_54, %dot_general3A {dimension_numbers = #tpu.dot_dimension_numbers<[1], [0], [0], [1], [0, 0, 1, 1], [], []>, transpose_lhs_hint = false} : vector<2000x128xf32>, vector<128x128xf32>, vector<2000x128xf32> -> vector<2000x128xf32>
    %get3A_56 = arith.constant 0 : index
    %get3A_57 = arith.constant 0 : index
    %get3A_58 = vector.load %arg13[%get3A_56, %get3A_57] : memref<1x128xf32, #tpu.memory_space<vmem>>, vector<1x128xf32>
    %add3A_59 = vector.broadcast %get3A_58 : vector<1x128xf32> to vector<2000x128xf32>
    %add3A_60 = arith.addf %dot_general3A_55, %add3A_59 : vector<2000x128xf32>
    %get3A_61 = arith.constant 0 : index
    %get3A_62 = arith.constant 0 : index
    %get3A_63 = vector.load %arg14[%get3A_61, %get3A_62] : memref<128x128xf32, #tpu.memory_space<vmem>>, vector<128x128xf32>
    %dot_general3A_64 = arith.constant dense<0.000000e+00> : vector<2000x128xf32>
    %dot_general3A_65 = tpu.matmul %mul3A_51, %get3A_63, %dot_general3A_64 {dimension_numbers = #tpu.dot_dimension_numbers<[1], [0], [0], [1], [0, 0, 1, 1], [], []>, transpose_lhs_hint = false} : vector<2000x128xf32>, vector<128x128xf32>, vector<2000x128xf32> -> vector<2000x128xf32>
    %get3A_66 = arith.constant 0 : index
    %get3A_67 = arith.constant 0 : index
    %get3A_68 = vector.load %arg15[%get3A_66, %get3A_67] : memref<1x128xf32, #tpu.memory_space<vmem>>, vector<1x128xf32>
    %add3A_69 = vector.broadcast %get3A_68 : vector<1x128xf32> to vector<2000x128xf32>
    %add3A_70 = arith.addf %dot_general3A_65, %add3A_69 : vector<2000x128xf32>
    %max3A = arith.constant 0.000000e+00 : f32
    %max3A_71 = vector.broadcast %max3A : f32 to vector<2000x128xf32>
    %max3A_72 = arith.maximumf %add3A_60, %max3A_71 : vector<2000x128xf32>
    %max3A_73 = arith.constant 0.000000e+00 : f32
    %max3A_74 = vector.broadcast %max3A_73 : f32 to vector<2000x128xf32>
    %max3A_75 = arith.maximumf %add3A_70, %max3A_74 : vector<2000x128xf32>
    %sub3A = arith.subf %max3A_72, %max3A_75 : vector<2000x128xf32>
    %eq3A = arith.constant 0 : i32
    %eq3A_76 = arith.cmpi eq, %arg0, %eq3A : i32
    %select_n3A = arith.select %eq3A_76, %get3A_1, %get3A_4 : vector<2000x1xf32>
    %mul3A_77 = vector.broadcast %select_n3A : vector<2000x1xf32> to vector<2000x128xf32>
    %mul3A_78 = arith.mulf %mul3A_77, %sub3A : vector<2000x128xf32>
    %swap3A = arith.constant 0 : index
    %swap3A_79 = arith.constant 0 : index
    %swap3A_80 = vector.load %arg16[%swap3A, %swap3A_79] : memref<2000x128xf32, #tpu.memory_space<vmem>>, vector<2000x128xf32>
    tpu.vector_store %arg16[%swap3A, %swap3A_79], %mul3A_78 {strides = array<i32>} : memref<2000x128xf32, #tpu.memory_space<vmem>>, vector<2000x128xf32>,
    return
  }
  func.func @transform_0(%arg0: i32, %arg1: i32) -> (i32, i32, i32) {
    %c0_i32 = arith.constant 0 : i32
    %c0_i32_0 = arith.constant 0 : i32
    %c0_i32_1 = arith.constant 0 : i32
    return %c0_i32, %arg1, %c0_i32_0 : i32, i32, i32
  }
  func.func @transform_1(%arg0: i32, %arg1: i32) -> (i32, i32, i32) {
    %c1_i32 = arith.constant 1 : i32
    %c0_i32 = arith.constant 0 : i32
    %c0_i32_0 = arith.constant 0 : i32
    return %c1_i32, %arg1, %c0_i32 : i32, i32, i32
  }
  func.func @transform_2(%arg0: i32, %arg1: i32) -> (i32, i32, i32) {
    %add3A = arith.constant 5 : i32
    %add3A_0 = arith.addi %add3A, %arg1 : i32
    %c0_i32 = arith.constant 0 : i32
    %c0_i32_1 = arith.constant 0 : i32
    %c0_i32_2 = arith.constant 0 : i32
    return %c0_i32, %add3A_0, %c0_i32_1 : i32, i32, i32
  }
  func.func @transform_3(%arg0: i32, %arg1: i32) -> (i32, i32, i32) {
    %add3A = arith.constant 5 : i32
    %add3A_0 = arith.addi %add3A, %arg1 : i32
    %c1_i32 = arith.constant 1 : i32
    %c0_i32 = arith.constant 0 : i32
    %c0_i32_1 = arith.constant 0 : i32
    return %c1_i32, %add3A_0, %c0_i32 : i32, i32, i32
  }
  func.func @transform_4(%arg0: i32, %arg1: i32) -> (i32, i32, i32) {
    %c0_i32 = arith.constant 0 : i32
    %c0_i32_0 = arith.constant 0 : i32
    %c0_i32_1 = arith.constant 0 : i32
    return %c0_i32, %arg1, %c0_i32_0 : i32, i32, i32
  }
  func.func @transform_5(%arg0: i32, %arg1: i32) -> (i32, i32, i32) {
    %c1_i32 = arith.constant 1 : i32
    %c0_i32 = arith.constant 0 : i32
    %c0_i32_0 = arith.constant 0 : i32
    return %c1_i32, %arg1, %c0_i32 : i32, i32, i32
  }
  func.func @transform_6(%arg0: i32, %arg1: i32) -> (i32, i32, i32) {
    %add3A = arith.constant 5 : i32
    %add3A_0 = arith.addi %add3A, %arg1 : i32
    %c0_i32 = arith.constant 0 : i32
    %c0_i32_1 = arith.constant 0 : i32
    %c0_i32_2 = arith.constant 0 : i32
    return %c0_i32, %add3A_0, %c0_i32_1 : i32, i32, i32
  }
  func.func @transform_7(%arg0: i32, %arg1: i32) -> (i32, i32, i32) {
    %add3A = arith.constant 5 : i32
    %add3A_0 = arith.addi %add3A, %arg1 : i32
    %c1_i32 = arith.constant 1 : i32
    %c0_i32 = arith.constant 0 : i32
    %c0_i32_1 = arith.constant 0 : i32
    return %c1_i32, %add3A_0, %c0_i32 : i32, i32, i32
  }
  func.func @transform_8(%arg0: i32, %arg1: i32) -> (i32, i32) {
    %c0_i32 = arith.constant 0 : i32
    %c0_i32_0 = arith.constant 0 : i32
    return %arg1, %c0_i32 : i32, i32
  }
  func.func @transform_9(%arg0: i32, %arg1: i32) -> (i32, i32) {
    %c0_i32 = arith.constant 0 : i32
    %c0_i32_0 = arith.constant 0 : i32
    return %arg1, %c0_i32 : i32, i32
  }
  func.func @transform_10(%arg0: i32, %arg1: i32) -> (i32, i32) {
    %c0_i32 = arith.constant 0 : i32
    %c0_i32_0 = arith.constant 0 : i32
    %c0_i32_1 = arith.constant 0 : i32
    return %c0_i32, %c0_i32_0 : i32, i32
  }
  func.func @transform_11(%arg0: i32, %arg1: i32) -> (i32, i32) {
    %c0_i32 = arith.constant 0 : i32
    %c0_i32_0 = arith.constant 0 : i32
    %c0_i32_1 = arith.constant 0 : i32
    return %c0_i32, %c0_i32_0 : i32, i32
  }
  func.func @transform_12(%arg0: i32, %arg1: i32) -> (i32, i32) {
    %c0_i32 = arith.constant 0 : i32
    %c0_i32_0 = arith.constant 0 : i32
    %c0_i32_1 = arith.constant 0 : i32
    return %c0_i32, %c0_i32_0 : i32, i32
  }
  func.func @transform_13(%arg0: i32, %arg1: i32) -> (i32, i32) {
    %c0_i32 = arith.constant 0 : i32
    %c0_i32_0 = arith.constant 0 : i32
    %c0_i32_1 = arith.constant 0 : i32
    return %c0_i32, %c0_i32_0 : i32, i32
  }
  func.func @transform_14(%arg0: i32, %arg1: i32) -> (i32, i32) {
    %mul3A = arith.constant 5 : i32
    %mul3A_0 = arith.muli %arg0, %mul3A : i32
    %add3A = arith.addi %mul3A_0, %arg1 : i32
    %c0_i32 = arith.constant 0 : i32
    %c0_i32_1 = arith.constant 0 : i32
    return %add3A, %c0_i32 : i32, i32
  }
}

module attributes {stable_mosaic.version = 14 : i64} {
  func.func @_split_body(%arg0: i32, %arg1: i32, %arg2: memref<2000x128xf32, #tpu.memory_space<vmem>>, %arg3: memref<2000x64xf32, #tpu.memory_space<vmem>>) attributes {dimension_semantics = [#tpu.dimension_semantics<arbitrary>, #tpu.dimension_semantics<arbitrary>], iteration_bounds = array<i64: 2, 10>, scalar_prefetch = 0 : i64, scratch_operands = 0 : i64, tpu.core_type = #tpu.core_type<tc>, window_params = [{transform_indices = @transform_0, window_bounds = array<i64: 2000, 128>}, {transform_indices = @transform_1, window_bounds = array<i64: 2000, 64>}]} {
    %get3A = arith.constant 0 : index
    %get3A_0 = arith.constant 0 : index
    %get3A_1 = vector.load %arg2[%get3A, %get3A_0] : memref<2000x128xf32, #tpu.memory_space<vmem>>, vector<2000x128xf32>
    %eq3A = arith.constant 0 : i32
    %eq3A_2 = arith.cmpi eq, %arg0, %eq3A : i32
    %slice3A = vector.extract_strided_slice %get3A_1 {offsets = [0, 0], sizes = [2000, 64], strides = [1, 1]} : vector<2000x128xf32> to vector<2000x64xf32>
    %slice3A_3 = vector.extract_strided_slice %get3A_1 {offsets = [0, 64], sizes = [2000, 64], strides = [1, 1]} : vector<2000x128xf32> to vector<2000x64xf32>
    %select_n3A = arith.select %eq3A_2, %slice3A, %slice3A_3 : vector<2000x64xf32>
    %swap3A = arith.constant 0 : index
    %swap3A_4 = arith.constant 0 : index
    %swap3A_5 = vector.load %arg3[%swap3A, %swap3A_4] : memref<2000x64xf32, #tpu.memory_space<vmem>>, vector<2000x64xf32>
    tpu.vector_store %arg3[%swap3A, %swap3A_4], %select_n3A {strides = array<i32>} : memref<2000x64xf32, #tpu.memory_space<vmem>>, vector<2000x64xf32>,
    return
  }
  func.func @transform_0(%arg0: i32, %arg1: i32) -> (i32, i32) {
    %c0_i32 = arith.constant 0 : i32
    %c0_i32_0 = arith.constant 0 : i32
    return %arg1, %c0_i32 : i32, i32
  }
  func.func @transform_1(%arg0: i32, %arg1: i32) -> (i32, i32) {
    %mul3A = arith.constant 2 : i32
    %mul3A_0 = arith.muli %arg0, %mul3A : i32
    %mul3A_1 = arith.constant 5 : i32
    %mul3A_2 = arith.muli %mul3A_0, %mul3A_1 : i32
    %add3A = arith.addi %mul3A_2, %arg1 : i32
    %c0_i32 = arith.constant 0 : i32
    %c0_i32_3 = arith.constant 0 : i32
    return %add3A, %c0_i32 : i32, i32
  }
}

module attributes {stable_mosaic.version = 14 : i64} {
  func.func @_final_body(%arg0: i32, %arg1: memref<1x2000x64xf32, #tpu.memory_space<vmem>>, %arg2: memref<1x2000x64xf32, #tpu.memory_space<vmem>>, %arg3: memref<1x2000x64xf32, #tpu.memory_space<vmem>>, %arg4: memref<1x2000x64xf32, #tpu.memory_space<vmem>>, %arg5: memref<2000x128xf32, #tpu.memory_space<vmem>>, %arg6: memref<2000x128xf32, #tpu.memory_space<vmem>>, %arg7: memref<2000x1xf32, #tpu.memory_space<vmem>>, %arg8: memref<2000x1xf32, #tpu.memory_space<vmem>>, %arg9: memref<128x128xf32, #tpu.memory_space<vmem>>, %arg10: memref<1x128xf32, #tpu.memory_space<vmem>>, %arg11: memref<128x128xf32, #tpu.memory_space<vmem>>, %arg12: memref<1x128xf32, #tpu.memory_space<vmem>>, %arg13: memref<2000x1xi32, #tpu.memory_space<vmem>>, %arg14: memref<1x128xf32, #tpu.memory_space<vmem>>, %arg15: memref<1x128xf32, #tpu.memory_space<vmem>>, %arg16: memref<64x128xf32, #tpu.memory_space<vmem>>, %arg17: memref<64x128xf32, #tpu.memory_space<vmem>>, %arg18: memref<64x1xf32, #tpu.memory_space<vmem>>) attributes {dimension_semantics = [#tpu.dimension_semantics<arbitrary>], iteration_bounds = array<i64: 5>, scalar_prefetch = 0 : i64, scratch_operands = 2 : i64, tpu.core_type = #tpu.core_type<tc>, window_params = [{transform_indices = @transform_0, window_bounds = array<i64: 1, 2000, 64>}, {transform_indices = @transform_1, window_bounds = array<i64: 1, 2000, 64>}, {transform_indices = @transform_2, window_bounds = array<i64: 1, 2000, 64>}, {transform_indices = @transform_3, window_bounds = array<i64: 1, 2000, 64>}, {transform_indices = @transform_4, window_bounds = array<i64: 2000, 128>}, {transform_indices = @transform_5, window_bounds = array<i64: 2000, 128>}, {transform_indices = @transform_6, window_bounds = array<i64: 2000, 1>}, {transform_indices = @transform_7, window_bounds = array<i64: 2000, 1>}, {pipeline_mode = #tpu.pipeline_mode<synchronous>, transform_indices = @transform_8, window_bounds = array<i64: 128, 128>}, {pipeline_mode = #tpu.pipeline_mode<synchronous>, transform_indices = @transform_9, window_bounds = array<i64: 1, 128>}, {pipeline_mode = #tpu.pipeline_mode<synchronous>, transform_indices = @transform_10, window_bounds = array<i64: 128, 128>}, {pipeline_mode = #tpu.pipeline_mode<synchronous>, transform_indices = @transform_11, window_bounds = array<i64: 1, 128>}, {transform_indices = @transform_12, window_bounds = array<i64: 2000, 1>}, {pipeline_mode = #tpu.pipeline_mode<synchronous>, transform_indices = @transform_13, window_bounds = array<i64: 1, 128>}, {pipeline_mode = #tpu.pipeline_mode<synchronous>, transform_indices = @transform_14, window_bounds = array<i64: 1, 128>}, {pipeline_mode = #tpu.pipeline_mode<synchronous>, transform_indices = @transform_15, window_bounds = array<i64: 64, 128>}]} {
    %get3A = arith.constant 0 : index
    %get3A_0 = arith.constant 0 : index
    %get3A_1 = vector.load %arg7[%get3A, %get3A_0] : memref<2000x1xf32, #tpu.memory_space<vmem>>, vector<2000x1xf32>
    %get3A_2 = arith.constant 0 : index
    %get3A_3 = arith.constant 0 : index
    %get3A_4 = vector.load %arg8[%get3A_2, %get3A_3] : memref<2000x1xf32, #tpu.memory_space<vmem>>, vector<2000x1xf32>
    %get3A_5 = arith.constant 0 : index
    %get3A_6 = arith.constant 0 : index
    %get3A_7 = arith.constant 0 : index
    %get3A_8 = vector.load %arg1[%get3A_5, %get3A_6, %get3A_7] : memref<1x2000x64xf32, #tpu.memory_space<vmem>>, vector<1x2000x64xf32>
    %get3A_9 = vector.shape_cast %get3A_8 : vector<1x2000x64xf32> to vector<2000x64xf32>
    %get3A_10 = arith.constant 0 : index
    %get3A_11 = arith.constant 0 : index
    %get3A_12 = arith.constant 0 : index
    %get3A_13 = vector.load %arg2[%get3A_10, %get3A_11, %get3A_12] : memref<1x2000x64xf32, #tpu.memory_space<vmem>>, vector<1x2000x64xf32>
    %get3A_14 = vector.shape_cast %get3A_13 : vector<1x2000x64xf32> to vector<2000x64xf32>
    %concatenate3A = tpu.concatenate %get3A_9, %get3A_14 in 1 : vector<2000x64xf32>, vector<2000x64xf32> -> vector<2000x128xf32>
    %get3A_15 = arith.constant 0 : index
    %get3A_16 = arith.constant 0 : index
    %get3A_17 = arith.constant 0 : index
    %get3A_18 = vector.load %arg3[%get3A_15, %get3A_16, %get3A_17] : memref<1x2000x64xf32, #tpu.memory_space<vmem>>, vector<1x2000x64xf32>
    %get3A_19 = vector.shape_cast %get3A_18 : vector<1x2000x64xf32> to vector<2000x64xf32>
    %get3A_20 = arith.constant 0 : index
    %get3A_21 = arith.constant 0 : index
    %get3A_22 = arith.constant 0 : index
    %get3A_23 = vector.load %arg4[%get3A_20, %get3A_21, %get3A_22] : memref<1x2000x64xf32, #tpu.memory_space<vmem>>, vector<1x2000x64xf32>
    %get3A_24 = vector.shape_cast %get3A_23 : vector<1x2000x64xf32> to vector<2000x64xf32>
    %concatenate3A_25 = tpu.concatenate %get3A_19, %get3A_24 in 1 : vector<2000x64xf32>, vector<2000x64xf32> -> vector<2000x128xf32>
    %get3A_26 = arith.constant 0 : index
    %get3A_27 = arith.constant 0 : index
    %get3A_28 = vector.load %arg5[%get3A_26, %get3A_27] : memref<2000x128xf32, #tpu.memory_space<vmem>>, vector<2000x128xf32>
    %add3A = arith.addf %concatenate3A, %get3A_28 : vector<2000x128xf32>
    %mul3A = vector.broadcast %get3A_1 : vector<2000x1xf32> to vector<2000x128xf32>
    %mul3A_29 = arith.mulf %mul3A, %add3A : vector<2000x128xf32>
    %get3A_30 = arith.constant 0 : index
    %get3A_31 = arith.constant 0 : index
    %get3A_32 = vector.load %arg6[%get3A_30, %get3A_31] : memref<2000x128xf32, #tpu.memory_space<vmem>>, vector<2000x128xf32>
    %add3A_33 = arith.addf %concatenate3A_25, %get3A_32 : vector<2000x128xf32>
    %mul3A_34 = vector.broadcast %get3A_4 : vector<2000x1xf32> to vector<2000x128xf32>
    %mul3A_35 = arith.mulf %mul3A_34, %add3A_33 : vector<2000x128xf32>
    %get3A_36 = arith.constant 0 : index
    %get3A_37 = arith.constant 0 : index
    %get3A_38 = vector.load %arg9[%get3A_36, %get3A_37] : memref<128x128xf32, #tpu.memory_space<vmem>>, vector<128x128xf32>
    %dot_general3A = arith.constant dense<0.000000e+00> : vector<2000x128xf32>
    %dot_general3A_39 = tpu.matmul %mul3A_29, %get3A_38, %dot_general3A {dimension_numbers = #tpu.dot_dimension_numbers<[1], [0], [0], [1], [0, 0, 1, 1], [], []>, transpose_lhs_hint = false} : vector<2000x128xf32>, vector<128x128xf32>, vector<2000x128xf32> -> vector<2000x128xf32>
    %get3A_40 = arith.constant 0 : index
    %get3A_41 = arith.constant 0 : index
    %get3A_42 = vector.load %arg10[%get3A_40, %get3A_41] : memref<1x128xf32, #tpu.memory_space<vmem>>, vector<1x128xf32>
    %add3A_43 = vector.broadcast %get3A_42 : vector<1x128xf32> to vector<2000x128xf32>
    %add3A_44 = arith.addf %dot_general3A_39, %add3A_43 : vector<2000x128xf32>
    %get3A_45 = arith.constant 0 : index
    %get3A_46 = arith.constant 0 : index
    %get3A_47 = vector.load %arg11[%get3A_45, %get3A_46] : memref<128x128xf32, #tpu.memory_space<vmem>>, vector<128x128xf32>
    %dot_general3A_48 = arith.constant dense<0.000000e+00> : vector<2000x128xf32>
    %dot_general3A_49 = tpu.matmul %mul3A_35, %get3A_47, %dot_general3A_48 {dimension_numbers = #tpu.dot_dimension_numbers<[1], [0], [0], [1], [0, 0, 1, 1], [], []>, transpose_lhs_hint = false} : vector<2000x128xf32>, vector<128x128xf32>, vector<2000x128xf32> -> vector<2000x128xf32>
    %get3A_50 = arith.constant 0 : index
    %get3A_51 = arith.constant 0 : index
    %get3A_52 = vector.load %arg12[%get3A_50, %get3A_51] : memref<1x128xf32, #tpu.memory_space<vmem>>, vector<1x128xf32>
    %add3A_53 = vector.broadcast %get3A_52 : vector<1x128xf32> to vector<2000x128xf32>
    %add3A_54 = arith.addf %dot_general3A_49, %add3A_53 : vector<2000x128xf32>
    %max3A = arith.constant 0.000000e+00 : f32
    %max3A_55 = vector.broadcast %max3A : f32 to vector<2000x128xf32>
    %max3A_56 = arith.maximumf %add3A_44, %max3A_55 : vector<2000x128xf32>
    %max3A_57 = arith.constant 0.000000e+00 : f32
    %max3A_58 = vector.broadcast %max3A_57 : f32 to vector<2000x128xf32>
    %max3A_59 = arith.maximumf %add3A_54, %max3A_58 : vector<2000x128xf32>
    %sub3A = arith.subf %max3A_56, %max3A_59 : vector<2000x128xf32>
    %get3A_60 = arith.constant 0 : index
    %get3A_61 = arith.constant 0 : index
    %get3A_62 = vector.load %arg13[%get3A_60, %get3A_61] : memref<2000x1xi32, #tpu.memory_space<vmem>>, vector<2000x1xi32>
    %iota3A = tpu.iota {dimensions = array<i32: 1>} : vector<2000x64xi32>
    %eq3A = vector.broadcast %get3A_62 : vector<2000x1xi32> to vector<2000x64xi32>
    %eq3A_63 = arith.cmpi eq, %eq3A, %iota3A : vector<2000x64xi32>
    %convert_element_type3A = arith.extui %eq3A_63 : vector<2000x64xi1> to vector<2000x64xi32>
    %convert_element_type3A_64 = arith.sitofp %convert_element_type3A : vector<2000x64xi32> to vector<2000x64xf32>
    %dot_general3A_65 = arith.constant dense<0.000000e+00> : vector<64x128xf32>
    %dot_general3A_66 = tpu.matmul %convert_element_type3A_64, %sub3A, %dot_general3A_65 {dimension_numbers = #tpu.dot_dimension_numbers<[0], [0], [1], [1], [0, 1, 1, 1], [], []>, transpose_lhs_hint = false} : vector<2000x64xf32>, vector<2000x128xf32>, vector<64x128xf32> -> vector<64x128xf32>
    %broadcast_in_dim3A = arith.constant 1.000000e+00 : f32
    %broadcast_in_dim3A_67 = vector.broadcast %broadcast_in_dim3A : f32 to vector<2000x1xf32>
    %dot_general3A_68 = arith.constant dense<0.000000e+00> : vector<64x1xf32>
    %dot_general3A_69 = tpu.matmul %convert_element_type3A_64, %broadcast_in_dim3A_67, %dot_general3A_68 {dimension_numbers = #tpu.dot_dimension_numbers<[0], [0], [1], [1], [0, 1, 1, 1], [], []>, transpose_lhs_hint = false} : vector<2000x64xf32>, vector<2000x1xf32>, vector<64x1xf32> -> vector<64x1xf32>
    %eq3A_70 = arith.constant 0 : i32
    %eq3A_71 = arith.cmpi eq, %arg0, %eq3A_70 : i32
    %convert_element_type3A_72 = arith.extui %eq3A_71 : i1 to i32
    %cond3A = arith.constant 0 : i32
    %cond3A_73 = arith.cmpi ne, %convert_element_type3A_72, %cond3A : i32
    scf.if %cond3A_73 {
      %swap3A = arith.constant 0 : index
      %swap3A_83 = arith.constant 0 : index
      %swap3A_84 = vector.load %arg17[%swap3A, %swap3A_83] : memref<64x128xf32, #tpu.memory_space<vmem>>, vector<64x128xf32>
      tpu.vector_store %arg17[%swap3A, %swap3A_83], %dot_general3A_66 {strides = array<i32>} : memref<64x128xf32, #tpu.memory_space<vmem>>, vector<64x128xf32>,
      %swap3A_85 = arith.constant 0 : index
      %swap3A_86 = arith.constant 0 : index
      %swap3A_87 = vector.load %arg18[%swap3A_85, %swap3A_86] : memref<64x1xf32, #tpu.memory_space<vmem>>, vector<64x1xf32>
      tpu.vector_store %arg18[%swap3A_85, %swap3A_86], %dot_general3A_69 {strides = array<i32>} : memref<64x1xf32, #tpu.memory_space<vmem>>, vector<64x1xf32>,
    } else {
    }
    %gt3A = arith.constant 0 : i32
    %gt3A_74 = arith.cmpi sgt, %arg0, %gt3A : i32
    %convert_element_type3A_75 = arith.extui %gt3A_74 : i1 to i32
    %cond3A_76 = arith.constant 0 : i32
    %cond3A_77 = arith.cmpi ne, %convert_element_type3A_75, %cond3A_76 : i32
    scf.if %cond3A_77 {
      %get3A_83 = arith.constant 0 : index
      %get3A_84 = arith.constant 0 : index
      %get3A_85 = vector.load %arg17[%get3A_83, %get3A_84] : memref<64x128xf32, #tpu.memory_space<vmem>>, vector<64x128xf32>
      %add3A_86 = arith.addf %get3A_85, %dot_general3A_66 : vector<64x128xf32>
      %swap3A = arith.constant 0 : index
      %swap3A_87 = arith.constant 0 : index
      %swap3A_88 = vector.load %arg17[%swap3A, %swap3A_87] : memref<64x128xf32, #tpu.memory_space<vmem>>, vector<64x128xf32>
      tpu.vector_store %arg17[%swap3A, %swap3A_87], %add3A_86 {strides = array<i32>} : memref<64x128xf32, #tpu.memory_space<vmem>>, vector<64x128xf32>,
      %get3A_89 = arith.constant 0 : index
      %get3A_90 = arith.constant 0 : index
      %get3A_91 = vector.load %arg18[%get3A_89, %get3A_90] : memref<64x1xf32, #tpu.memory_space<vmem>>, vector<64x1xf32>
      %add3A_92 = arith.addf %get3A_91, %dot_general3A_69 : vector<64x1xf32>
      %swap3A_93 = arith.constant 0 : index
      %swap3A_94 = arith.constant 0 : index
      %swap3A_95 = vector.load %arg18[%swap3A_93, %swap3A_94] : memref<64x1xf32, #tpu.memory_space<vmem>>, vector<64x1xf32>
      tpu.vector_store %arg18[%swap3A_93, %swap3A_94], %add3A_92 {strides = array<i32>} : memref<64x1xf32, #tpu.memory_space<vmem>>, vector<64x1xf32>,
    } else {
    }
    %eq3A_78 = arith.constant 4 : i32
    %eq3A_79 = arith.cmpi eq, %arg0, %eq3A_78 : i32
    %convert_element_type3A_80 = arith.extui %eq3A_79 : i1 to i32
    %cond3A_81 = arith.constant 0 : i32
    %cond3A_82 = arith.cmpi ne, %convert_element_type3A_80, %cond3A_81 : i32
    scf.if %cond3A_82 {
      %get3A_83 = arith.constant 0 : index
      %get3A_84 = arith.constant 0 : index
      %get3A_85 = vector.load %arg17[%get3A_83, %get3A_84] : memref<64x128xf32, #tpu.memory_space<vmem>>, vector<64x128xf32>
      %get3A_86 = arith.constant 0 : index
      %get3A_87 = arith.constant 0 : index
      %get3A_88 = vector.load %arg18[%get3A_86, %get3A_87] : memref<64x1xf32, #tpu.memory_space<vmem>>, vector<64x1xf32>
      %max3A_89 = arith.constant 1.000000e+00 : f32
      %max3A_90 = vector.broadcast %max3A_89 : f32 to vector<64x1xf32>
      %max3A_91 = arith.maximumf %get3A_88, %max3A_90 : vector<64x1xf32>
      %div3A = vector.broadcast %max3A_91 : vector<64x1xf32> to vector<64x128xf32>
      %div3A_92 = arith.divf %get3A_85, %div3A : vector<64x128xf32>
      %reduce_sum3A = arith.constant dense<0.000000e+00> : vector<64xf32>
      %reduce_sum3A_93 = vector.multi_reduction <add>, %div3A_92, %reduce_sum3A [1] : vector<64x128xf32> to vector<64xf32>
      %broadcast_in_dim3A_94 = vector.shape_cast %reduce_sum3A_93 : vector<64xf32> to vector<64x1xf32>
      %div3A_95 = arith.constant 1.280000e+02 : f32
      %div3A_96 = vector.broadcast %div3A_95 : f32 to vector<64x1xf32>
      %div3A_97 = arith.divf %broadcast_in_dim3A_94, %div3A_96 : vector<64x1xf32>
      %sub3A_98 = vector.broadcast %div3A_97 : vector<64x1xf32> to vector<64x128xf32>
      %sub3A_99 = arith.subf %div3A_92, %sub3A_98 : vector<64x128xf32>
      %integer_pow3A = arith.mulf %sub3A_99, %sub3A_99 : vector<64x128xf32>
      %reduce_sum3A_100 = arith.constant dense<0.000000e+00> : vector<64xf32>
      %reduce_sum3A_101 = vector.multi_reduction <add>, %integer_pow3A, %reduce_sum3A_100 [1] : vector<64x128xf32> to vector<64xf32>
      %broadcast_in_dim3A_102 = vector.shape_cast %reduce_sum3A_101 : vector<64xf32> to vector<64x1xf32>
      %div3A_103 = arith.constant 1.280000e+02 : f32
      %div3A_104 = vector.broadcast %div3A_103 : f32 to vector<64x1xf32>
      %div3A_105 = arith.divf %broadcast_in_dim3A_102, %div3A_104 : vector<64x1xf32>
      %get3A_106 = arith.constant 0 : index
      %get3A_107 = arith.constant 0 : index
      %get3A_108 = vector.load %arg14[%get3A_106, %get3A_107] : memref<1x128xf32, #tpu.memory_space<vmem>>, vector<1x128xf32>
      %sub3A_109 = vector.broadcast %div3A_97 : vector<64x1xf32> to vector<64x128xf32>
      %sub3A_110 = arith.subf %div3A_92, %sub3A_109 : vector<64x128xf32>
      %mul3A_111 = vector.broadcast %get3A_108 : vector<1x128xf32> to vector<64x128xf32>
      %mul3A_112 = arith.mulf %mul3A_111, %sub3A_110 : vector<64x128xf32>
      %add3A_113 = arith.constant 9.99999974E-6 : f32
      %add3A_114 = vector.broadcast %add3A_113 : f32 to vector<64x1xf32>
      %add3A_115 = arith.addf %div3A_105, %add3A_114 : vector<64x1xf32>
      %rsqrt3A = math.rsqrt %add3A_115 : vector<64x1xf32>
      %mul3A_116 = vector.broadcast %rsqrt3A : vector<64x1xf32> to vector<64x128xf32>
      %mul3A_117 = arith.mulf %mul3A_112, %mul3A_116 : vector<64x128xf32>
      %get3A_118 = arith.constant 0 : index
      %get3A_119 = arith.constant 0 : index
      %get3A_120 = vector.load %arg15[%get3A_118, %get3A_119] : memref<1x128xf32, #tpu.memory_space<vmem>>, vector<1x128xf32>
      %add3A_121 = vector.broadcast %get3A_120 : vector<1x128xf32> to vector<64x128xf32>
      %add3A_122 = arith.addf %mul3A_117, %add3A_121 : vector<64x128xf32>
      %swap3A = arith.constant 0 : index
      %swap3A_123 = arith.constant 0 : index
      %swap3A_124 = vector.load %arg16[%swap3A, %swap3A_123] : memref<64x128xf32, #tpu.memory_space<vmem>>, vector<64x128xf32>
      tpu.vector_store %arg16[%swap3A, %swap3A_123], %add3A_122 {strides = array<i32>} : memref<64x128xf32, #tpu.memory_space<vmem>>, vector<64x128xf32>,
    } else {
    }
    return
  }
  func.func @transform_0(%arg0: i32) -> (i32, i32, i32) {
    %c0_i32 = arith.constant 0 : i32
    %c0_i32_0 = arith.constant 0 : i32
    %c0_i32_1 = arith.constant 0 : i32
    return %c0_i32, %arg0, %c0_i32_0 : i32, i32, i32
  }
  func.func @transform_1(%arg0: i32) -> (i32, i32, i32) {
    %c1_i32 = arith.constant 1 : i32
    %c0_i32 = arith.constant 0 : i32
    %c0_i32_0 = arith.constant 0 : i32
    return %c1_i32, %arg0, %c0_i32 : i32, i32, i32
  }
  func.func @transform_2(%arg0: i32) -> (i32, i32, i32) {
    %add3A = arith.constant 5 : i32
    %add3A_0 = arith.addi %add3A, %arg0 : i32
    %c0_i32 = arith.constant 0 : i32
    %c0_i32_1 = arith.constant 0 : i32
    %c0_i32_2 = arith.constant 0 : i32
    return %c0_i32, %add3A_0, %c0_i32_1 : i32, i32, i32
  }
  func.func @transform_3(%arg0: i32) -> (i32, i32, i32) {
    %add3A = arith.constant 5 : i32
    %add3A_0 = arith.addi %add3A, %arg0 : i32
    %c1_i32 = arith.constant 1 : i32
    %c0_i32 = arith.constant 0 : i32
    %c0_i32_1 = arith.constant 0 : i32
    return %c1_i32, %add3A_0, %c0_i32 : i32, i32, i32
  }
  func.func @transform_4(%arg0: i32) -> (i32, i32) {
    %c0_i32 = arith.constant 0 : i32
    %c0_i32_0 = arith.constant 0 : i32
    return %arg0, %c0_i32 : i32, i32
  }
  func.func @transform_5(%arg0: i32) -> (i32, i32) {
    %add3A = arith.constant 5 : i32
    %add3A_0 = arith.addi %add3A, %arg0 : i32
    %c0_i32 = arith.constant 0 : i32
    %c0_i32_1 = arith.constant 0 : i32
    return %add3A_0, %c0_i32 : i32, i32
  }
  func.func @transform_6(%arg0: i32) -> (i32, i32) {
    %c0_i32 = arith.constant 0 : i32
    %c0_i32_0 = arith.constant 0 : i32
    return %arg0, %c0_i32 : i32, i32
  }
  func.func @transform_7(%arg0: i32) -> (i32, i32) {
    %c0_i32 = arith.constant 0 : i32
    %c0_i32_0 = arith.constant 0 : i32
    return %arg0, %c0_i32 : i32, i32
  }
  func.func @transform_8(%arg0: i32) -> (i32, i32) {
    %c0_i32 = arith.constant 0 : i32
    %c0_i32_0 = arith.constant 0 : i32
    %c0_i32_1 = arith.constant 0 : i32
    return %c0_i32, %c0_i32_0 : i32, i32
  }
  func.func @transform_9(%arg0: i32) -> (i32, i32) {
    %c0_i32 = arith.constant 0 : i32
    %c0_i32_0 = arith.constant 0 : i32
    %c0_i32_1 = arith.constant 0 : i32
    return %c0_i32, %c0_i32_0 : i32, i32
  }
  func.func @transform_10(%arg0: i32) -> (i32, i32) {
    %c0_i32 = arith.constant 0 : i32
    %c0_i32_0 = arith.constant 0 : i32
    %c0_i32_1 = arith.constant 0 : i32
    return %c0_i32, %c0_i32_0 : i32, i32
  }
  func.func @transform_11(%arg0: i32) -> (i32, i32) {
    %c0_i32 = arith.constant 0 : i32
    %c0_i32_0 = arith.constant 0 : i32
    %c0_i32_1 = arith.constant 0 : i32
    return %c0_i32, %c0_i32_0 : i32, i32
  }
  func.func @transform_12(%arg0: i32) -> (i32, i32) {
    %c0_i32 = arith.constant 0 : i32
    %c0_i32_0 = arith.constant 0 : i32
    return %arg0, %c0_i32 : i32, i32
  }
  func.func @transform_13(%arg0: i32) -> (i32, i32) {
    %c0_i32 = arith.constant 0 : i32
    %c0_i32_0 = arith.constant 0 : i32
    %c0_i32_1 = arith.constant 0 : i32
    return %c0_i32, %c0_i32_0 : i32, i32
  }
  func.func @transform_14(%arg0: i32) -> (i32, i32) {
    %c0_i32 = arith.constant 0 : i32
    %c0_i32_0 = arith.constant 0 : i32
    %c0_i32_1 = arith.constant 0 : i32
    return %c0_i32, %c0_i32_0 : i32, i32
  }
  func.func @transform_15(%arg0: i32) -> (i32, i32) {
    %c0_i32 = arith.constant 0 : i32
    %c0_i32_0 = arith.constant 0 : i32
    %c0_i32_1 = arith.constant 0 : i32
    return %c0_i32, %c0_i32_0 : i32, i32
  }
}

</mosaic_0001>

<sc_bundles>
// kernel: kernel.10.cloned.1.call-start
scs
__scs_entry_jumppad:
0x0: {  	(pc) =	sbr.rel $0x88, $3  }
0x1: {  	(tag) =	ssettag $0x0;
	lr =	simm.s32 $0x1  }
0x2: {  	[smem:$0x3F93] =	sst lr;
	_ =	strace $0xD0000000  }
0x3: {  	_ = 	snop  }
0x4: {  	_ = 	snop  }
0x5: {  	_ = 	snop  }
0x6: {  	_ = 	snop  }
0x7: {  	_ = 	snop  }
__scs_overlays_trampoline_lowered:
0x8: {  	[smem:$0x3FA2] =	sst s0  }
0x9: {  	[smem:$0x3FA3] =	sst s1  }
0xa: {  	[smem:$0x3FA4] =	sst s2  }
0xb: {  	[smem:$0x3FA5] =	sst s3  }
0xc: {  	[smem:$0x3FA6] =	sst s4  }
0xd: {  	[smem:$0x3FA7] =	sst s5  }
0xe: {  	[smem:$0x3FA8] =	sst s6  }
0xf: {  	[smem:$0x3FA9] =	sst s7  }
0x10: {  	[smem:$0x3FAA] =	sst s8  }
0x11: {  	[smem:$0x3FAB] =	sst s9;
	s0 =	simm.s32 @!p0 $0x0  }
0x12: {  	s1 =	sld [smem:$0x3F91];
	s0 =	simm.s32 @p0 $0x1  }
0x13: {  	[smem:$0x3FAC] =	sst s0;
	s0 =	simm.s32 @!p1 $0x0  }
0x14: {  	s2 =	sld [smem:$0x3F90];
	s0 =	simm.s32 @p1 $0x1  }
0x15: {  	[smem:$0x3FAD] =	sst s0;
	s0 =	simm.s32 @!p2 $0x0  }
0x16: {  	s3 =	sld [smem:$0x3FDB];
	s0 =	simm.s32 @p2 $0x1  }
0x17: {  	s4 =	simm.s32 $0x1BF5;
	[smem:$0x3FAF] =	sst s0  }
0x18: {  	s0 =	sld [smem:$0x3F92];
	_ =	swait.ge [sflag:s4], $0x0  }
0x19: {  	s7 =	sld [smem:$0x3F93]  }
0x1a: {  	s8 =	sadd.s32 $0xFFFFE003, lr  }
0x1b: {  	s9 =	sadd.s32 $0xFFFFFEF7, lr;
	s5 =	simm.s32 $0xFFFFFFFF;
	p2 =	slt.u32 s8, $0xFFFFF086  }
0x1c: {  	p1 =	slt.u32 s9, $0xF7A;
	s5 =	simm.s32 @!p2 $0x0  }
0x1d: {  	s5 =	simm.s32 @p1 $0x1;
	p0 =	seq.s32 s7, s2  }
0x1e: {  	s7 =	smul.u32 @!p0 $0xF7A, s2;
	p2 =	seq.s32 @!p0 s5, $0x0  }
0x1f: {  	s9 =	smul.u32 $0xF7A, s1;
	s8 =	simm.s32 @!p0 $0x1BF5;
	p2 =	por !p2, p0  }
0x20: {  	[sflag:s8] =	ssyncset.s32 @!p0 $0xFFFFF086;
	s6 =	sadd.s32 @!p0 s3, s7;
	s7 =	simm.s32 @!p0 $0x108  }
0x21: {  	s3 =	sadd.s32 s3, s9;
	s6 =	sadd.s32 @!p0 $0x88, s6;
	s7 =	simm.s32 @p2 $0x1082  }
0x22: {  	[simem:s7], [sflag:s8] =	dma.local @!p0 [hbm:s6], $0xF7A  }
0x23: {  	s9 =	sor.u32 $0xD0000000, s2;
	s6 =	simm.s32 $0x108;
	_ =	swait.ge @!p0 [sflag:s8], $0x0  }
0x24: {  	s3 =	sadd.s32 $0x88, s3;
	s6 =	simm.s32 @!p1 $0x1082;
	[sflag:s4] =	ssyncset.s32 $0xFFFFF086  }
0x25: {  	[simem:s6], [sflag:s4] =	dma.local [hbm:s3], $0xF7A  }
0x26: {  	[smem:$0x3F93] =	sst s1;
	(tag) =	ssettag s2;
	_ =	strace s9  }
0x27: {  	s1 =	sld [smem:$0x3FA3]  }
0x28: {  	s2 =	sld [smem:$0x3FA4]  }
0x29: {  	s4 =	sld [smem:$0x3FA6]  }
0x2a: {  	p0 =	seq.s32 s5, $0x0;
	s5 =	sld [smem:$0x3FA7]  }
0x2b: {  	s6 =	sld [smem:$0x3FA8]  }
0x2c: {  	s7 =	sld [smem:$0x3FA9]  }
0x2d: {  	s3 =	simm.s32 $0x108;
	s8 =	sld [smem:$0x3FAA]  }
0x2e: {  	s3 =	simm.s32 @!p0 $0x1082;
	s9 =	sld [smem:$0x3FAB]  }
0x2f: {  	lr =	sadd.s32 s0, s3;
	s0 =	sld [smem:$0x3FA2]  }
0x30: {  	s3 =	sld [smem:$0x3FA5]  }
0x31: {  	[smem:$0x3FAE] =	sst s10  }
0x32: {  	s10 =	sld [smem:$0x3FAC];
	_ =	sdelay $0x3  }
0x33: {  	p0 =	seq.s32 s10, $0x1;
	s10 =	sld [smem:$0x3FAE];
	_ =	sdelay $0x3  }
0x34: {  	[smem:$0x3FAE] =	sst s10  }
0x35: {  	s10 =	sld [smem:$0x3FAD];
	_ =	sdelay $0x3  }
0x36: {  	p1 =	seq.s32 s10, $0x1;
	s10 =	sld [smem:$0x3FAE];
	_ =	sdelay $0x3  }
0x37: {  	[smem:$0x3FAE] =	sst s10  }
0x38: {  	s10 =	sld [smem:$0x3FAF]  }
0x39: {  	_ = 	snop;
	(pc) =	sbr.ind lr, $3  }
0x3a: {  	_ = 	snop  }
0x3b: {  	_ = 	snop  }
0x3c: {  	p2 =	seq.s32 s10, $0x1;
	s10 =	sld [smem:$0x3FAE]  }
0x3d: {  	_ =	shalt  }
0x3e: {  	_ =	shalt  }
0x3f: {  	_ =	shalt  }
0x40: {  	_ =	shalt  }
0x41: {  	_ =	shalt  }
0x42: {  	_ =	shalt  }
0x43: {  	_ =	shalt  }
0x44: {  	_ =	shalt  }
0x45: {  	_ =	shalt  }
0x46: {  	_ =	shalt  }
0x47: {  	_ =	shalt  }
0x48: {  	_ =	shalt  }
0x49: {  	_ =	shalt  }
0x4a: {  	_ =	shalt  }
0x4b: {  	_ =	shalt  }
0x4c: {  	_ =	shalt  }
0x4d: {  	_ =	shalt  }
0x4e: {  	_ =	shalt  }
0x4f: {  	_ =	shalt  }
0x50: {  	_ =	shalt  }
0x51: {  	_ =	shalt  }
0x52: {  	_ =	shalt  }
0x53: {  	_ =	shalt  }
0x54: {  	_ =	shalt  }
0x55: {  	_ =	shalt  }
0x56: {  	_ =	shalt  }
0x57: {  	_ =	shalt  }
0x58: {  	_ =	shalt  }
0x59: {  	_ =	shalt  }
0x5a: {  	_ =	shalt  }
0x5b: {  	_ =	shalt  }
0x5c: {  	_ =	shalt  }
0x5d: {  	_ =	shalt  }
0x5e: {  	_ =	shalt  }
0x5f: {  	_ =	shalt  }
0x60: {  	_ =	shalt  }
0x61: {  	_ =	shalt  }
0x62: {  	_ =	shalt  }
0x63: {  	_ =	shalt  }
0x64: {  	_ =	shalt  }
0x65: {  	_ =	shalt  }
0x66: {  	_ =	shalt  }
0x67: {  	_ =	shalt  }
0x68: {  	_ =	shalt  }
0x69: {  	_ =	shalt  }
0x6a: {  	_ =	shalt  }
0x6b: {  	_ =	shalt  }
0x6c: {  	_ =	shalt  }
0x6d: {  	_ =	shalt  }
0x6e: {  	_ =	shalt  }
0x6f: {  	_ =	shalt  }
0x70: {  	_ =	shalt  }
0x71: {  	_ =	shalt  }
0x72: {  	_ =	shalt  }
0x73: {  	_ =	shalt  }
0x74: {  	_ =	shalt  }
0x75: {  	_ =	shalt  }
0x76: {  	_ =	shalt  }
0x77: {  	_ =	shalt  }
0x78: {  	_ =	shalt  }
0x79: {  	_ =	shalt  }
0x7a: {  	_ =	shalt  }
0x7b: {  	_ =	shalt  }
0x7c: {  	_ =	shalt  }
0x7d: {  	_ =	shalt  }
0x7e: {  	_ =	shalt  }
0x7f: {  	_ =	shalt  }
0x80: {  	_ =	shalt  }
0x81: {  	_ =	shalt  }
0x82: {  	_ =	shalt  }
0x83: {  	_ =	shalt  }
0x84: {  	_ =	shalt  }
0x85: {  	_ =	shalt  }
0x86: {  	_ =	shalt  }
0x87: {  	_ =	shalt  }
.Lfunc_end0:
.L_simem_size_0:
called_computation_lowered:
.L_overlay_start_0:
0x88: {  	s2 =	sld [smem:$0x3FD9]  }
0x89: {  	s3 =	sld [smem:$0x3FFE];
	_ =	sdelay $0x1  }
0x8a: {  	s1 =	srdreg.scid  }
0x8b: {  	s0 =	sand.u32 $0x1, s1  }
0x8c: {  	s17 =	sshll.u32 s0, $0xA;
	s2 =	sadd.s32 s3, s2  }
0x8d: {  	s2 =	sadd.s32 s2, s17  }
0x8e: {  	[smem:$0x3FBA] =	sst s2  }
0x8f: {  	_ = 	snop  }
0x90: {  	s2 =	sld [smem:$0x3FD0];
	(tm) =	ssettm $0x1  }
0x91: {  	s18 =	sld [smem:$0x3FFB];
	_ =	sdelay $0x3  }
0x92: {  	_ =	strace s18  }
0x93: {  	s3 =	sld [smem:$0x3FFC];
	_ =	sdelay $0x3  }
0x94: {  	_ =	strace s3  }
0x95: {  	s3 =	sld [smem:$0x3FFD];
	_ =	sdelay $0x3  }
0x96: {  	_ =	strace s3  }
0x97: {  	_ =	strace $0x8FFFFFFF  }
0x98: {  	s19 =	sld [smem:$0x3FDB];
	_ =	sdelay $0x1  }
0x99: {  	s4 =	simm.s32 $_scs_section_size  }
0x9a: {  	s5 =	simm.s32 $_size__tile_overlayer_lowered;
	s6 =	simm.s32 $_tile_overlayer_lowered  }
0x9b: {  	s22 =	simm.s32 $0x1BFF;
	s21 =	sshll.u32 s6, $0x1;
	s3 =	sadd.s32 s4, s19  }
0x9c: {  	s7 =	simm.s32 $0x0;
	s20 =	sshll.u32 s5, $0x1;
	s5 =	sadd.s32 s21, s3  }
0x9d: {  	[timem:s7], [sflag:s22] =	dma.local [hbm:s5], s20  }
0x9e: {  	_ =	swait.ge [sflag:s22], s20  }
0x9f: {  	s4 =	ssub.s32 $0x0, s20;
	[sflag:s22] =	ssyncset.done $0x0  }
0xa0: {  	[sflag:s22] =	ssyncadd.s32 s4;
	_ =	sdelay $0x1  }
0xa1: {  	s23 =	simm.s32 $0x1B8B  }
0xa2: {  	_ =	swait.ge [sflag:s23], $0x1  }
0xa3: {  	[sflag:s23] =	ssyncset.done $0x0  }
0xa4: {  	s25 =	simm.s32 $0x1B8E;
	s24 =	sld [smem:$0x3FFE];
	[sflag:s23] =	ssyncadd.s32 $0xFFFFFFFF  }
0xa5: {  	s26 =	simm.s32 $execute0_lowered;
	[smem:$0x3FD2] =	sst s25  }
0xa6: {  	s5 =	sshll.u32 s26, $0x1;
	_ =	strace $0x80000046;
	[dreg:$0x1] =	wrdreg $0xFFFFFFFF  }
0xa7: {  	s28 =	simm.s32 $_size_execute0_lowered;
	s3 =	sadd.s32 s3, s5;
	[dreg:$0x0] =	wrdreg $0x0  }
0xa8: {  	s5 =	sshll.u32 s28, $0x1;
	[dreg:$0x2] =	wrdreg s3  }
0xa9: {  	[dreg:$0x3] =	wrdreg s5  }
0xaa: {  	[dreg:$0x4] =	wrdreg $0xC0  }
0xab: {  	_ =	task [dreg:s7], $0x5FFFF  }
0xac: {  	[dreg:$0x1] =	wrdreg $0xFFFFFFFF  }
0xad: {  	[dreg:$0x0] =	wrdreg $0x60  }
0xae: {  	[dreg:$0x2] =	wrdreg s24  }
0xaf: {  	[dreg:$0x3] =	wrdreg s2  }
0xb0: {  	[dreg:$0x4] =	wrdreg $0x2F800  }
0xb1: {  	[dreg:$0x5] =	wrdreg $0x9  }
0xb2: {  	_ =	task.clear_ibuf [dreg:s7], $0x6FFFF;
	_ =	strace $0x90000046  }
0xb3: {  	s29 =	simm.s32 $0x9;
	_ =	strace $0x80000048  }
0xb4: {  	_ =	swait.ge [sflag:s29], $0x1  }
0xb5: {  	[sflag:s29] =	ssyncadd.s32 $0xFFFFFFFF  }
0xb6: {  	_ =	strace $0x90000048  }
0xb7: {  	_ =	sfence  }
0xb8: {  	s30 =	sld [smem:$0x0];
	_ =	sdelay $0x2  }
0xb9: {  	s31 =	sshll.u32 s1, $0xD;
	s1 =	sshrl.u32 s1, $0x2  }
0xba: {  	s3 =	sand.u32 $0x4000, s31;
	s1 =	sadd.s32 s1, s30  }
0xbb: {  	s0 =	sor.u32 s3, s0;
	s1 =	sshll.u32 s1, $0x11  }
0xbc: {  	s0 =	sor.u32 s1, s0  }
0xbd: {  	s0 =	sadd.s32 $0x8F2B, s0  }
0xbe: {  	[sflag:s0] =	ssyncadd.remote.s32 $0x1  }
0xbf: {  	_ =	sfence.sel $0xFFFF  }
0xc0: {  	[dreg:$0x0] =	wrdreg $0xFFFFFFFF;
	(pc) =	sbr.abs _section_cstart, $3  }
0xc1: {  	[dreg:$0x1] =	wrdreg $0xFFFFFFFF  }
0xc2: {  	_ =	task.clear_ibuf [dreg:s7], $0x2FFFF;
	_ =	strace $0x9FFFFFFF  }
0xc3: {  	(tm) =	ssettm $0x7FFFFFFF  }
tec
execute0_lowered:
.L_overlay_start_1:
0x0: {  	(tag) =	ssettag $0x1  }
0x1: {  	s6 =	rddreg [dreg:$0x0]  }
0x2: {  	s1 =	srdreg.scid;
	s2 =	rddreg [dreg:$0x1]  }
0x3: {  	s0 =	stileid.u32;
	s3 =	rddreg [dreg:$0x2]  }
0x4: {  	s4 =	simm.s32 $0x0;
	s13 =	simm.s32 $0x80;
	s14 =	simm.s32 $0x0  }
0x5: {  	s7 =	sand.u32 $0x1, s1;
	s26 =	sshll.u32 s0, $0x1;
	s8 =	smul.u32 $0xA00, s0  }
0x6: {  	[smem:$0x7FF] =	sst s4;
	s11 =	smul.u32 $0x14000, s0;
	s31 =	sshll.u32 s0, $0x6  }
0x7: {  	s1 =	sor.u32 s7, s26;
	s9 =	smul.u32 $0xA000, s7;
	s7 =	ssub.s32 $0x2, s7  }
0x8: {  	s5 =	smul.u32 $0x4F0, s1;
	s1 =	rddreg [dreg:$0x3];
	_ =	strace $0x80000047  }
0x9: {  	s28 =	sshrl.u32 s7, $0x1;
	s29 =	sshrl.u32 s11, $0x2;
	s11 =	sor.u32 $0x1C01, s31  }
0xa: {  	s8 =	sadd.s32 s8, s9;
	s30 =	ssub.s32 s7, s28;
	s12 =	sadd.s32 s29, s3  }
0xb: {  	s9 =	simm.s32 $0x1;
	s10 =	sadd.s32 s5, s6;
	s5 =	sadd.s32 $0x20A00, s6  }
0xc: {  	s8 =	sadd.s32 s8, s6;
	s12 =	sshrl.u32 s12, $0x3;
	s6 =	sadd.s32 $0x3000, s10  }
0xd: {  	s7 =	sadd.s32 $0x21400, s8;
	s8 =	smax.u32 s30, $0x1;
	s10 =	simm.s32 $0x2780  }
.LBB2_1:
0xe: {  	[tilespmem:s4], [sflag:$0x1] =	stream.linear.gather [hbm4b:s6+s4], $0x2780, $0x38;
	[tilespmem:$0x7F80] =	vst v63  }
0xf: {  	_ =	swait.ge [sflag:s9], $0x2780  }
0x10: {  	[sflag:s9] =	ssyncset.done $0x0  }
0x11: {  	[sflag:s9] =	ssyncadd.s32 $0xFFFFD880  }
0x12: {  	[tilespmem:s10], [sflag:$0x1] =	stream.linear.gather [hbm4b:s2+s4], $0x800, $0x38;
	[tilespmem:$0x7F80] =	vst v63  }
0x13: {  	_ =	swait.ge [sflag:s9], $0x800  }
0x14: {  	[sflag:s9] =	ssyncset.done $0x0  }
0x15: {  	[sflag:s9] =	ssyncadd.s32 $0xFFFFF800  }
0x16: {  	[spmem:s12], [sflag:s11] =	dma.local [hbm:s5], $0xA00  }
0x17: {  	_ =	swait.ge [sflag:s9], $0xA00  }
0x18: {  	[sflag:s9] =	ssyncset.done $0x0  }
0x19: {  	[sflag:s9] =	ssyncadd.s32 $0xFFFFF600  }
0x1a: {  	s15 =	simm.s32 $0x0;
	[bflag:$0x0] =	sbarrier.arrive $0xFFFF  }
0x1b: {  	[spmem:s3] =	stream.indirect.scatter.add.f32 [tilespmem:s10], [sflag:$0x1], $0x10, s15, s13, $0xb8;
	[tilespmem:$0x7F80] =	vst v63  }
0x1c: {  	_ =	swait.ge [sflag:s9], $0x800  }
0x1d: {  	s15 =	simm.s32 $0x200;
	[sflag:s9] =	ssyncset.done $0x0  }
.LBB2_2:
0x1e: {  	s16 =	sshra.s32 s15, $0x2;
	[sflag:s9] =	ssyncadd.s32 $0xFFFFF800;
	p0 =	sne.s32 s15, $0x9C00  }
0x1f: {  	[spmem:s3] =	stream.indirect.scatter.add.f32 [tilespmem:s10], [sflag:$0x1], $0x10, s16, s13, $0xb8;
	[tilespmem:$0x7F80] =	vst v63  }
.Ltmp0:
0x20: {  	_ = 	snop;
	(pc) =	sbr.rel @p0 .LBB2_2-.Ltmp0, $4  }
0x21: {  	_ = 	snop  }
0x22: {  	s15 =	sadd.s32 $0x200, s15  }
0x23: {  	_ =	swait.ge [sflag:s9], $0x800  }
0x24: {  	[sflag:s9] =	ssyncset.done $0x0  }
0x25: {  	s14 =	sadd.s32 $0x1, s14  }
0x26: {  	[sflag:s9] =	ssyncadd.s32 $0xFFFFF800;
	p0 =	sne.s32 s14, s8  }
.Ltmp1:
0x27: {  	[bflag:$0x0] =	sbarrier.arrive $0xFFFF;
	(pc) =	sbr.rel @p0 .LBB2_1-.Ltmp1, $4  }
0x28: {  	[hbm:s7], [sflag:s11] =	dma.local [spmem:s12], $0xA00  }
0x29: {  	_ =	swait.ge [sflag:s9], $0xA00  }
0x2a: {  	[sflag:s9] =	ssyncset.done $0x0  }
0x2b: {  	[sflag:s9] =	ssyncadd.s32 $0xFFFFF600  }
0x2c: {  	_ =	sfence.sel $0x180000  }
0x2d: {  	[bflag:$0x0] =	sbarrier.arrive $0xFFFF  }
0x2e: {  	p0 =	sne.s32 s0, $0x0;
	_ =	strace $0x90000047  }
0x2f: {  	s0 =	sadd.s32 @!p0 $0x100000, s1;
	[bflag:$0x2] =	sbarrier.arrive $0xFFFF  }
0x30: {  	[sflag:s0] =	ssyncadd.tile.s32 @!p0 $0x1;
	_ =	shalt  }
.Lfunc_end2:
_tile_overlayer_lowered:
.L_overlay_start_2:
0x31: {  	(tag) =	ssettag $0x2  }
0x32: {  	s0 =	rddreg [dreg:$0x0];
	s2 =	stileid.u32  }
0x33: {  	s1 =	rddreg [dreg:$0x1];
	p0 =	sne.s32 s2, $0x0  }
0x34: {  	s3 =	rddreg [dreg:$0x2];
	[bflag:$0x3] =	sbarrier.arrive $0xFFFF;
	s2 =	simm.s32 @!p0 $0x1C01  }
0x35: {  	[timem:s3], [sflag:s2] =	dma.local @!p0 [hbm:s0], s1  }
0x36: {  	s0 =	simm.s32 @!p0 $0x1  }
0x37: {  	_ =	swait.ge @!p0 [sflag:s0], s1  }
0x38: {  	s1 =	ssub.s32 @!p0 $0x0, s1;
	[sflag:s0] =	ssyncset.done @!p0 $0x0  }
0x39: {  	[sflag:s0] =	ssyncadd.s32 @!p0 s1  }
0x3a: {  	[bflag:$0x3] =	sbarrier.arrive $0xFFFF  }
0x3b: {  	_ =	shalt  }

// kernel: kernel.13.cloned.1.call-start
scs
__scs_entry_jumppad:
0x0: {  	(pc) =	sbr.rel $0x88, $3  }
0x1: {  	(tag) =	ssettag $0x0;
	lr =	simm.s32 $0x1  }
0x2: {  	[smem:$0x3F93] =	sst lr;
	_ =	strace $0xD0000000  }
0x3: {  	_ = 	snop  }
0x4: {  	_ = 	snop  }
0x5: {  	_ = 	snop  }
0x6: {  	_ = 	snop  }
0x7: {  	_ = 	snop  }
__scs_overlays_trampoline_lowered:
0x8: {  	[smem:$0x3FA2] =	sst s0  }
0x9: {  	[smem:$0x3FA3] =	sst s1  }
0xa: {  	[smem:$0x3FA4] =	sst s2  }
0xb: {  	[smem:$0x3FA5] =	sst s3  }
0xc: {  	[smem:$0x3FA6] =	sst s4  }
0xd: {  	[smem:$0x3FA7] =	sst s5  }
0xe: {  	[smem:$0x3FA8] =	sst s6  }
0xf: {  	[smem:$0x3FA9] =	sst s7  }
0x10: {  	[smem:$0x3FAA] =	sst s8  }
0x11: {  	[smem:$0x3FAB] =	sst s9;
	s0 =	simm.s32 @!p0 $0x0  }
0x12: {  	s1 =	sld [smem:$0x3F91];
	s0 =	simm.s32 @p0 $0x1  }
0x13: {  	[smem:$0x3FAC] =	sst s0;
	s0 =	simm.s32 @!p1 $0x0  }
0x14: {  	s2 =	sld [smem:$0x3F90];
	s0 =	simm.s32 @p1 $0x1  }
0x15: {  	[smem:$0x3FAD] =	sst s0;
	s0 =	simm.s32 @!p2 $0x0  }
0x16: {  	s3 =	sld [smem:$0x3FDB];
	s0 =	simm.s32 @p2 $0x1  }
0x17: {  	s4 =	simm.s32 $0x1BF5;
	[smem:$0x3FAF] =	sst s0  }
0x18: {  	s0 =	sld [smem:$0x3F92];
	_ =	swait.ge [sflag:s4], $0x0  }
0x19: {  	s7 =	sld [smem:$0x3F93]  }
0x1a: {  	s8 =	sadd.s32 $0xFFFFE003, lr  }
0x1b: {  	s9 =	sadd.s32 $0xFFFFFEF7, lr;
	s5 =	simm.s32 $0xFFFFFFFF;
	p2 =	slt.u32 s8, $0xFFFFF086  }
0x1c: {  	p1 =	slt.u32 s9, $0xF7A;
	s5 =	simm.s32 @!p2 $0x0  }
0x1d: {  	s5 =	simm.s32 @p1 $0x1;
	p0 =	seq.s32 s7, s2  }
0x1e: {  	s7 =	smul.u32 @!p0 $0xF7A, s2;
	p2 =	seq.s32 @!p0 s5, $0x0  }
0x1f: {  	s9 =	smul.u32 $0xF7A, s1;
	s8 =	simm.s32 @!p0 $0x1BF5;
	p2 =	por !p2, p0  }
0x20: {  	[sflag:s8] =	ssyncset.s32 @!p0 $0xFFFFF086;
	s6 =	sadd.s32 @!p0 s3, s7;
	s7 =	simm.s32 @!p0 $0x108  }
0x21: {  	s3 =	sadd.s32 s3, s9;
	s6 =	sadd.s32 @!p0 $0x88, s6;
	s7 =	simm.s32 @p2 $0x1082  }
0x22: {  	[simem:s7], [sflag:s8] =	dma.local @!p0 [hbm:s6], $0xF7A  }
0x23: {  	s9 =	sor.u32 $0xD0000000, s2;
	s6 =	simm.s32 $0x108;
	_ =	swait.ge @!p0 [sflag:s8], $0x0  }
0x24: {  	s3 =	sadd.s32 $0x88, s3;
	s6 =	simm.s32 @!p1 $0x1082;
	[sflag:s4] =	ssyncset.s32 $0xFFFFF086  }
0x25: {  	[simem:s6], [sflag:s4] =	dma.local [hbm:s3], $0xF7A  }
0x26: {  	[smem:$0x3F93] =	sst s1;
	(tag) =	ssettag s2;
	_ =	strace s9  }
0x27: {  	s1 =	sld [smem:$0x3FA3]  }
0x28: {  	s2 =	sld [smem:$0x3FA4]  }
0x29: {  	s4 =	sld [smem:$0x3FA6]  }
0x2a: {  	p0 =	seq.s32 s5, $0x0;
	s5 =	sld [smem:$0x3FA7]  }
0x2b: {  	s6 =	sld [smem:$0x3FA8]  }
0x2c: {  	s7 =	sld [smem:$0x3FA9]  }
0x2d: {  	s3 =	simm.s32 $0x108;
	s8 =	sld [smem:$0x3FAA]  }
0x2e: {  	s3 =	simm.s32 @!p0 $0x1082;
	s9 =	sld [smem:$0x3FAB]  }
0x2f: {  	lr =	sadd.s32 s0, s3;
	s0 =	sld [smem:$0x3FA2]  }
0x30: {  	s3 =	sld [smem:$0x3FA5]  }
0x31: {  	[smem:$0x3FAE] =	sst s10  }
0x32: {  	s10 =	sld [smem:$0x3FAC];
	_ =	sdelay $0x3  }
0x33: {  	p0 =	seq.s32 s10, $0x1;
	s10 =	sld [smem:$0x3FAE];
	_ =	sdelay $0x3  }
0x34: {  	[smem:$0x3FAE] =	sst s10  }
0x35: {  	s10 =	sld [smem:$0x3FAD];
	_ =	sdelay $0x3  }
0x36: {  	p1 =	seq.s32 s10, $0x1;
	s10 =	sld [smem:$0x3FAE];
	_ =	sdelay $0x3  }
0x37: {  	[smem:$0x3FAE] =	sst s10  }
0x38: {  	s10 =	sld [smem:$0x3FAF]  }
0x39: {  	_ = 	snop;
	(pc) =	sbr.ind lr, $3  }
0x3a: {  	_ = 	snop  }
0x3b: {  	_ = 	snop  }
0x3c: {  	p2 =	seq.s32 s10, $0x1;
	s10 =	sld [smem:$0x3FAE]  }
0x3d: {  	_ =	shalt  }
0x3e: {  	_ =	shalt  }
0x3f: {  	_ =	shalt  }
0x40: {  	_ =	shalt  }
0x41: {  	_ =	shalt  }
0x42: {  	_ =	shalt  }
0x43: {  	_ =	shalt  }
0x44: {  	_ =	shalt  }
0x45: {  	_ =	shalt  }
0x46: {  	_ =	shalt  }
0x47: {  	_ =	shalt  }
0x48: {  	_ =	shalt  }
0x49: {  	_ =	shalt  }
0x4a: {  	_ =	shalt  }
0x4b: {  	_ =	shalt  }
0x4c: {  	_ =	shalt  }
0x4d: {  	_ =	shalt  }
0x4e: {  	_ =	shalt  }
0x4f: {  	_ =	shalt  }
0x50: {  	_ =	shalt  }
0x51: {  	_ =	shalt  }
0x52: {  	_ =	shalt  }
0x53: {  	_ =	shalt  }
0x54: {  	_ =	shalt  }
0x55: {  	_ =	shalt  }
0x56: {  	_ =	shalt  }
0x57: {  	_ =	shalt  }
0x58: {  	_ =	shalt  }
0x59: {  	_ =	shalt  }
0x5a: {  	_ =	shalt  }
0x5b: {  	_ =	shalt  }
0x5c: {  	_ =	shalt  }
0x5d: {  	_ =	shalt  }
0x5e: {  	_ =	shalt  }
0x5f: {  	_ =	shalt  }
0x60: {  	_ =	shalt  }
0x61: {  	_ =	shalt  }
0x62: {  	_ =	shalt  }
0x63: {  	_ =	shalt  }
0x64: {  	_ =	shalt  }
0x65: {  	_ =	shalt  }
0x66: {  	_ =	shalt  }
0x67: {  	_ =	shalt  }
0x68: {  	_ =	shalt  }
0x69: {  	_ =	shalt  }
0x6a: {  	_ =	shalt  }
0x6b: {  	_ =	shalt  }
0x6c: {  	_ =	shalt  }
0x6d: {  	_ =	shalt  }
0x6e: {  	_ =	shalt  }
0x6f: {  	_ =	shalt  }
0x70: {  	_ =	shalt  }
0x71: {  	_ =	shalt  }
0x72: {  	_ =	shalt  }
0x73: {  	_ =	shalt  }
0x74: {  	_ =	shalt  }
0x75: {  	_ =	shalt  }
0x76: {  	_ =	shalt  }
0x77: {  	_ =	shalt  }
0x78: {  	_ =	shalt  }
0x79: {  	_ =	shalt  }
0x7a: {  	_ =	shalt  }
0x7b: {  	_ =	shalt  }
0x7c: {  	_ =	shalt  }
0x7d: {  	_ =	shalt  }
0x7e: {  	_ =	shalt  }
0x7f: {  	_ =	shalt  }
0x80: {  	_ =	shalt  }
0x81: {  	_ =	shalt  }
0x82: {  	_ =	shalt  }
0x83: {  	_ =	shalt  }
0x84: {  	_ =	shalt  }
0x85: {  	_ =	shalt  }
0x86: {  	_ =	shalt  }
0x87: {  	_ =	shalt  }
.Lfunc_end0:
.L_simem_size_0:
called_computation.1_lowered:
.L_overlay_start_0:
0x88: {  	s2 =	sld [smem:$0x3FD9]  }
0x89: {  	s3 =	sld [smem:$0x3FFE];
	_ =	sdelay $0x1  }
0x8a: {  	s1 =	srdreg.scid  }
0x8b: {  	s0 =	sand.u32 $0x1, s1  }
0x8c: {  	s16 =	sshll.u32 s0, $0xA;
	s2 =	sadd.s32 s3, s2  }
0x8d: {  	s2 =	sadd.s32 s2, s16  }
0x8e: {  	[smem:$0x3FBA] =	sst s2  }
0x8f: {  	_ = 	snop  }
0x90: {  	(tm) =	ssettm $0x1  }
0x91: {  	s17 =	sld [smem:$0x3FFB];
	_ =	sdelay $0x3  }
0x92: {  	_ =	strace s17  }
0x93: {  	s2 =	sld [smem:$0x3FFC];
	_ =	sdelay $0x3  }
0x94: {  	_ =	strace s2  }
0x95: {  	s2 =	sld [smem:$0x3FFD];
	_ =	sdelay $0x3  }
0x96: {  	_ =	strace s2  }
0x97: {  	_ =	strace $0x8FFFFFFF  }
0x98: {  	s18 =	sld [smem:$0x3FDB];
	_ =	sdelay $0x1  }
0x99: {  	s19 =	simm.s32 $_scs_section_size  }
0x9a: {  	s4 =	simm.s32 $_size__tile_overlayer_lowered;
	s5 =	simm.s32 $_tile_overlayer_lowered  }
0x9b: {  	s22 =	simm.s32 $0x1BFF;
	s21 =	sshll.u32 s5, $0x1;
	s2 =	sadd.s32 s19, s18  }
0x9c: {  	s6 =	simm.s32 $0x0;
	s20 =	sshll.u32 s4, $0x1;
	s4 =	sadd.s32 s21, s2  }
0x9d: {  	[timem:s6], [sflag:s22] =	dma.local [hbm:s4], s20  }
0x9e: {  	_ =	swait.ge [sflag:s22], s20  }
0x9f: {  	s3 =	ssub.s32 $0x0, s20;
	[sflag:s22] =	ssyncset.done $0x0  }
0xa0: {  	[sflag:s22] =	ssyncadd.s32 s3;
	_ =	sdelay $0x1  }
0xa1: {  	s23 =	simm.s32 $0x1B8B  }
0xa2: {  	_ =	swait.ge [sflag:s23], $0x1  }
0xa3: {  	[sflag:s23] =	ssyncset.done $0x0  }
0xa4: {  	s25 =	simm.s32 $0x1B8E;
	s24 =	sld [smem:$0x3FFE];
	[sflag:s23] =	ssyncadd.s32 $0xFFFFFFFF  }
0xa5: {  	s26 =	simm.s32 $execute0_lowered;
	[smem:$0x3FD2] =	sst s25  }
0xa6: {  	s4 =	sshll.u32 s26, $0x1;
	_ =	strace $0x80000049;
	[dreg:$0x1] =	wrdreg $0xFFFFFFFF  }
0xa7: {  	s28 =	simm.s32 $_size_execute0_lowered;
	s2 =	sadd.s32 s2, s4;
	[dreg:$0x0] =	wrdreg $0x0  }
0xa8: {  	s4 =	sshll.u32 s28, $0x1;
	[dreg:$0x2] =	wrdreg s2  }
0xa9: {  	[dreg:$0x3] =	wrdreg s4  }
0xaa: {  	[dreg:$0x4] =	wrdreg $0xC0  }
0xab: {  	_ =	task [dreg:s6], $0x5FFFF  }
0xac: {  	[dreg:$0x1] =	wrdreg $0xFFFFFFFF  }
0xad: {  	[dreg:$0x0] =	wrdreg $0x60  }
0xae: {  	[dreg:$0x2] =	wrdreg s24  }
0xaf: {  	[dreg:$0x3] =	wrdreg $0xAF000  }
0xb0: {  	[dreg:$0x4] =	wrdreg $0x9  }
0xb1: {  	_ =	task.clear_ibuf [dreg:s6], $0x5FFFF;
	_ =	strace $0x90000049  }
0xb2: {  	s29 =	simm.s32 $0x9;
	_ =	strace $0x8000004B  }
0xb3: {  	_ =	swait.ge [sflag:s29], $0x1  }
0xb4: {  	[sflag:s29] =	ssyncadd.s32 $0xFFFFFFFF  }
0xb5: {  	_ =	strace $0x9000004B  }
0xb6: {  	_ =	sfence  }
0xb7: {  	s30 =	sld [smem:$0x0];
	_ =	sdelay $0x2  }
0xb8: {  	s31 =	sshll.u32 s1, $0xD;
	s1 =	sshrl.u32 s1, $0x2  }
0xb9: {  	s3 =	sand.u32 $0x4000, s31;
	s1 =	sadd.s32 s1, s30  }
0xba: {  	s0 =	sor.u32 s3, s0;
	s1 =	sshll.u32 s1, $0x11  }
0xbb: {  	s0 =	sor.u32 s1, s0  }
0xbc: {  	s0 =	sadd.s32 $0x8F2B, s0  }
0xbd: {  	[sflag:s0] =	ssyncadd.remote.s32 $0x1  }
0xbe: {  	_ =	sfence.sel $0xFFFF  }
0xbf: {  	[dreg:$0x0] =	wrdreg $0xFFFFFFFF;
	(pc) =	sbr.abs _section_cstart, $3  }
0xc0: {  	[dreg:$0x1] =	wrdreg $0xFFFFFFFF  }
0xc1: {  	_ =	task.clear_ibuf [dreg:s6], $0x2FFFF;
	_ =	strace $0x9FFFFFFF  }
0xc2: {  	(tm) =	ssettm $0x7FFFFFFF  }
0xc3: {  	_ =	shalt  }
tec
execute0_lowered:
.L_overlay_start_1:
0x0: {  	(tag) =	ssettag $0x1  }
0x1: {  	s8 =	rddreg [dreg:$0x0]  }
0x2: {  	s2 =	rddreg [dreg:$0x1]  }
0x3: {  	s0 =	rddreg [dreg:$0x2]  }
0x4: {  	s3 =	simm.s32 $0x0;
	s4 =	srdreg.scid;
	s1 =	stileid.u32  }
0x5: {  	s16 =	simm.s32 $0x4F00;
	s17 =	simm.s32 $0x6F00;
	s18 =	simm.s32 $0x3  }
0x6: {  	s19 =	simm.s32 $0x8F00;
	s20 =	simm.s32 $0x5;
	s21 =	simm.s32 $0x6  }
0x7: {  	s22 =	simm.s32 $0x4;
	s23 =	simm.s32 $0x2;
	s24 =	simm.s32 $0x1  }
0x8: {  	[smem:$0x7FF] =	sst s3;
	s10 =	sand.u32 $0x1, s4;
	s7 =	smul.u32 $0x2800, s1  }
0x9: {  	s4 =	sadd.s32 $0x20A00, s8;
	s5 =	sadd.s32 $0xCE00, s8;
	s12 =	smul.u32 $0x50000, s1  }
0xa: {  	s6 =	sadd.s32 $0x3000, s8;
	s31 =	sshll.u32 s1, $0x6;
	s9 =	smul.u32 $0x28000, s10  }
0xb: {  	_ =	strace $0x8000004A;
	s11 =	ssub.s32 $0x2, s10;
	s10 =	smul.u32 $0x9E0, s10  }
.Ltmp0:
0xc: {  	s29 =	sshrl.u32 s11, $0x1;
	s30 =	sshrl.u32 s12, $0x2;
	(pc) =	sbr.rel .LBB2_1-.Ltmp0, $4  }
0xd: {  	s9 =	sadd.s32 s7, s9;
	s7 =	sadd.s32 $0x6EC00, s8;
	s14 =	ssub.s32 s11, s29  }
0xe: {  	s15 =	sadd.s32 s30, s2;
	s13 =	sadd.s32 s9, s8;
	s8 =	sor.u32 $0x1C07, s31  }
0xf: {  	s9 =	smul.u32 $0x9E, s1;
	s12 =	smax.u32 s14, $0x1;
	s14 =	simm.s32 $0x7  }
0x10: {  	s11 =	sadd.s32 $0x71400, s13;
	s13 =	sshrl.u32 s15, $0x3;
	s15 =	simm.s32 $0x80  }
.LBB2_10:
0x11: {  	s3 =	sadd.s32 $0x1, s3  }
0x12: {  	p0 =	sne.s32 s3, s12  }
.Ltmp1:
0x13: {  	[bflag:$0x0] =	sbarrier.arrive $0xFFFF;
	(pc) =	sbr.rel @!p0 .LBB2_11-.Ltmp1, $4  }
0x14: {  	[hbm:s11], [sflag:s8] =	dma.local [spmem:s13], $0x2800  }
0x15: {  	_ =	swait.ge [sflag:s14], $0x2800  }
0x16: {  	[sflag:s14] =	ssyncset.done $0x0  }
0x17: {  	[sflag:s14] =	ssyncadd.s32 $0xFFFFD800  }
.LBB2_1:
0x18: {  	[spmem:s13], [sflag:s8] =	dma.local [hbm:s7], $0x2800  }
.Ltmp2:
0x19: {  	_ =	swait.ge [sflag:s14], $0x2800;
	(pc) =	sbr.rel .LBB2_2-.Ltmp2, $4  }
0x1a: {  	[sflag:s14] =	ssyncset.done $0x0  }
0x1b: {  	[sflag:s14] =	ssyncadd.s32 $0xFFFFD800  }
0x1c: {  	[bflag:$0x0] =	sbarrier.arrive $0xFFFF  }
0x1d: {  	p1 =	por $0x1, $0x1;
	s25 =	simm.s32 $0x0  }
.LBB2_9:
0x1e: {  	_ =	swait.ge [sflag:s20], $0x2000  }
0x1f: {  	[sflag:s20] =	ssyncset.done $0x0  }
0x20: {  	[sflag:s20] =	ssyncadd.s32 $0xFFFFE000  }
0x21: {  	_ =	swait.ge [sflag:s21], $0x2000  }
.Ltmp3:
0x22: {  	[sflag:s21] =	ssyncset.done $0x0;
	(pc) =	sbr.rel @!p0 .LBB2_10-.Ltmp3, $4  }
0x23: {  	[sflag:s21] =	ssyncadd.s32 $0xFFFFE000  }
0x24: {  	_ =	swait.ge [sflag:s22], $0x2000  }
0x25: {  	[sflag:s22] =	ssyncset.done $0x0  }
0x26: {  	s25 =	simm.s32 $0x4F;
	p1 =	por $0x0, $0x0;
	[sflag:s22] =	ssyncadd.s32 $0xFFFFE000  }
.LBB2_2:
0x27: {  	s26 =	sadd.s32 s9, s25  }
0x28: {  	s25 =	sadd.s32 s10, s26  }
0x29: {  	s25 =	sshll.u32 s25, $0x4  }
0x2a: {  	s28 =	sadd.s32 s5, s25;
	s25 =	simm.s32 $0x0  }
0x2b: {  	[tilespmem:s25], [sflag:$0x7] =	stream.linear.gather [hbm4b:s28+s25], $0x2780, $0x38;
	[tilespmem:$0x1EF00] =	vst v63  }
0x2c: {  	_ =	swait.ge [sflag:s14], $0x2780  }
0x2d: {  	s26 =	sshll.u32 s26, $0x4;
	[sflag:s14] =	ssyncset.done $0x0  }
0x2e: {  	s28 =	sadd.s32 s6, s26;
	s26 =	simm.s32 $0x2780;
	[sflag:s14] =	ssyncadd.s32 $0xFFFFD880  }
0x2f: {  	[tilespmem:s26], [sflag:$0x7] =	stream.linear.gather [hbm4b:s28+s25], $0x2780, $0x38;
	[tilespmem:$0x1EF00] =	vst v63  }
0x30: {  	_ =	swait.ge [sflag:s14], $0x2780  }
.Ltmp4:
0x31: {  	[sflag:s14] =	ssyncset.done $0x0;
	(pc) =	sbr.rel .LBB2_3-.Ltmp4, $4  }
0x32: {  	[sflag:s14] =	ssyncadd.s32 $0xFFFFD880  }
0x33: {  	[tilespmem:s16], [sflag:$0x1] =	stream.indirect.gather [hbm4b:s4+s15], $0x40, s25, s15, $0xb8;
	[tilespmem:$0x1EF00] =	vst v63  }
0x34: {  	p0 =	por p1, p1;
	s28 =	simm.s32 $0x100  }
0x35: {  	[tilespmem:s17], [sflag:$0x2] =	stream.indirect.gather [hbm4b:s4+s15], $0x40, s15, s15, $0xb8;
	[tilespmem:$0x1EF00] =	vst v63  }
.LBB2_7:
0x36: {  	_ =	swait.ge [sflag:s18], $0x2000  }
0x37: {  	p1 =	sgt.u32 s25, $0x4C;
	[sflag:s18] =	ssyncset.done $0x0  }
0x38: {  	s29 =	simm.s32 @!p1 $0x5;
	[sflag:s18] =	ssyncadd.s32 $0xFFFFE000  }
0x39: {  	[spmem:s2] =	stream.indirect.scatter.add.f32 [tilespmem:s19], [sflag:$0x6], $0x40, s26, s15, $0xb8;
	[tilespmem:$0x1EF00] =	vst v63  }
0x3a: {  	_ =	swait.ge @!p1 [sflag:s29], $0x2000  }
0x3b: {  	[sflag:s29] =	ssyncset.done @!p1 $0x0  }
0x3c: {  	s30 =	simm.s32 @!p1 $0x6F00;
	[sflag:s29] =	ssyncadd.s32 @!p1 $0xFFFFE000;
	s29 =	simm.s32 @!p1 $0x80  }
0x3d: {  	[tilespmem:s30], [sflag:$0x2] =	stream.indirect.gather @!p1 [hbm4b:s4+s29], $0x40, s28, s29, $0xb8;
	[tilespmem:$0x1EF00] =	vst v63  }
.LBB2_8:
0x3e: {  	s25 =	sadd.s32 $0x1, s25  }
0x3f: {  	p1 =	sne.s32 s25, $0x4F  }
.Ltmp5:
0x40: {  	_ = 	snop;
	(pc) =	sbr.rel @!p1 .LBB2_9-.Ltmp5, $2  }
0x41: {  	_ =	sdelay $0x2  }
0x42: {  	s26 =	sadd.s32 $0x80, s26;
	s28 =	sadd.s32 $0x80, s28  }
.LBB2_3:
0x43: {  	s29 =	smul.u32 $0xAB, s25;
	_ =	sdelay $0x1  }
0x44: {  	s29 =	sshrl.u32 s29, $0x9  }
0x45: {  	s29 =	sand.u32 $0x7F, s29  }
0x46: {  	s29 =	smul.u32 $0x3, s29;
	_ =	sdelay $0x1  }
0x47: {  	s29 =	ssub.s32 s25, s29  }
0x48: {  	s29 =	sand.u32 $0xFF, s29  }
0x49: {  	p1 =	seq.s32 s29, $0x2  }
.Ltmp6:
0x4a: {  	_ = 	snop;
	(pc) =	sbr.rel @p1 .LBB2_7-.Ltmp6, $1  }
0x4b: {  	_ =	sdelay $0x3  }
0x4c: {  	p1 =	seq.s32 s29, $0x1  }
.Ltmp7:
0x4d: {  	_ = 	snop;
	(pc) =	sbr.rel @!p1 .LBB2_5-.Ltmp7, $1  }
0x4e: {  	_ =	sdelay $0x3  }
0x4f: {  	_ =	swait.ge [sflag:s23], $0x2000  }
0x50: {  	[sflag:s23] =	ssyncset.done $0x0  }
0x51: {  	p1 =	sgt.u32 s25, $0x4C;
	[sflag:s23] =	ssyncadd.s32 $0xFFFFE000  }
0x52: {  	[spmem:s2] =	stream.indirect.scatter.add.f32 [tilespmem:s17], [sflag:$0x5], $0x40, s26, s15, $0xb8;
	[tilespmem:$0x1EF00] =	vst v63  }
.Ltmp8:
0x53: {  	s29 =	simm.s32 @!p1 $0x4;
	(pc) =	sbr.rel .LBB2_8-.Ltmp8, $4  }
0x54: {  	_ =	swait.ge @!p1 [sflag:s29], $0x2000  }
0x55: {  	[sflag:s29] =	ssyncset.done @!p1 $0x0  }
0x56: {  	s30 =	simm.s32 @!p1 $0x4F00;
	[sflag:s29] =	ssyncadd.s32 @!p1 $0xFFFFE000;
	s29 =	simm.s32 @!p1 $0x80  }
0x57: {  	[tilespmem:s30], [sflag:$0x1] =	stream.indirect.gather @!p1 [hbm4b:s4+s29], $0x40, s28, s29, $0xb8;
	[tilespmem:$0x1EF00] =	vst v63  }
.LBB2_5:
0x58: {  	_ =	swait.ge [sflag:s24], $0x2000;
	p1 =	sgt.u32 s25, $0x4C  }
0x59: {  	[sflag:s24] =	ssyncset.done $0x0;
	p2 =	seq.s32 @!p1 s25, $0x0  }
0x5a: {  	[sflag:s24] =	ssyncadd.s32 $0xFFFFE000;
	p2 =	por p2, p1  }
0x5b: {  	[spmem:s2] =	stream.indirect.scatter.add.f32 [tilespmem:s16], [sflag:$0x4], $0x40, s26, s15, $0xb8;
	[tilespmem:$0x1EF00] =	vst v63  }
.Ltmp9:
0x5c: {  	s29 =	simm.s32 @!p2 $0x6;
	(pc) =	sbr.rel .LBB2_8-.Ltmp9, $4  }
0x5d: {  	_ =	swait.ge @!p2 [sflag:s29], $0x2000  }
0x5e: {  	[sflag:s29] =	ssyncset.done @!p2 $0x0  }
0x5f: {  	s30 =	simm.s32 @!p1 $0x8F00;
	[sflag:s29] =	ssyncadd.s32 @!p2 $0xFFFFE000;
	s29 =	simm.s32 @!p1 $0x80  }
0x60: {  	[tilespmem:s30], [sflag:$0x3] =	stream.indirect.gather @!p1 [hbm4b:s4+s29], $0x40, s28, s29, $0xb8;
	[tilespmem:$0x1EF00] =	vst v63  }
.LBB2_11:
0x61: {  	_ =	sfence.sel $0x180000  }
0x62: {  	[bflag:$0x0] =	sbarrier.arrive $0xFFFF  }
0x63: {  	p0 =	sne.s32 s1, $0x0;
	_ =	strace $0x9000004A  }
0x64: {  	s0 =	sadd.s32 @!p0 $0x100000, s0;
	[bflag:$0x2] =	sbarrier.arrive $0xFFFF  }
0x65: {  	[sflag:s0] =	ssyncadd.tile.s32 @!p0 $0x1;
	_ =	shalt  }
.Lfunc_end2:
_tile_overlayer_lowered:
.L_overlay_start_2:
0x66: {  	(tag) =	ssettag $0x2  }
0x67: {  	s0 =	rddreg [dreg:$0x0];
	s2 =	stileid.u32  }
0x68: {  	s1 =	rddreg [dreg:$0x1];
	p0 =	sne.s32 s2, $0x0  }
0x69: {  	s3 =	rddreg [dreg:$0x2];
	[bflag:$0x3] =	sbarrier.arrive $0xFFFF;
	s2 =	simm.s32 @!p0 $0x1C07  }
0x6a: {  	[timem:s3], [sflag:s2] =	dma.local @!p0 [hbm:s0], s1  }
0x6b: {  	s0 =	simm.s32 @!p0 $0x7  }
0x6c: {  	_ =	swait.ge @!p0 [sflag:s0], s1  }
0x6d: {  	s1 =	ssub.s32 @!p0 $0x0, s1;
	[sflag:s0] =	ssyncset.done @!p0 $0x0  }
0x6e: {  	[sflag:s0] =	ssyncadd.s32 @!p0 s1  }
0x6f: {  	[bflag:$0x3] =	sbarrier.arrive $0xFFFF  }
0x70: {  	_ =	shalt  }

// kernel: kernel.16.cloned.1.call-start
scs
__scs_entry_jumppad:
0x0: {  	(pc) =	sbr.rel $0x88, $3  }
0x1: {  	(tag) =	ssettag $0x0;
	lr =	simm.s32 $0x1  }
0x2: {  	[smem:$0x3F93] =	sst lr;
	_ =	strace $0xD0000000  }
0x3: {  	_ = 	snop  }
0x4: {  	_ = 	snop  }
0x5: {  	_ = 	snop  }
0x6: {  	_ = 	snop  }
0x7: {  	_ = 	snop  }
__scs_overlays_trampoline_lowered:
0x8: {  	[smem:$0x3FA2] =	sst s0  }
0x9: {  	[smem:$0x3FA3] =	sst s1  }
0xa: {  	[smem:$0x3FA4] =	sst s2  }
0xb: {  	[smem:$0x3FA5] =	sst s3  }
0xc: {  	[smem:$0x3FA6] =	sst s4  }
0xd: {  	[smem:$0x3FA7] =	sst s5  }
0xe: {  	[smem:$0x3FA8] =	sst s6  }
0xf: {  	[smem:$0x3FA9] =	sst s7  }
0x10: {  	[smem:$0x3FAA] =	sst s8  }
0x11: {  	[smem:$0x3FAB] =	sst s9;
	s0 =	simm.s32 @!p0 $0x0  }
0x12: {  	s1 =	sld [smem:$0x3F91];
	s0 =	simm.s32 @p0 $0x1  }
0x13: {  	[smem:$0x3FAC] =	sst s0;
	s0 =	simm.s32 @!p1 $0x0  }
0x14: {  	s2 =	sld [smem:$0x3F90];
	s0 =	simm.s32 @p1 $0x1  }
0x15: {  	[smem:$0x3FAD] =	sst s0;
	s0 =	simm.s32 @!p2 $0x0  }
0x16: {  	s3 =	sld [smem:$0x3FDB];
	s0 =	simm.s32 @p2 $0x1  }
0x17: {  	s4 =	simm.s32 $0x1BF5;
	[smem:$0x3FAF] =	sst s0  }
0x18: {  	s0 =	sld [smem:$0x3F92];
	_ =	swait.ge [sflag:s4], $0x0  }
0x19: {  	s7 =	sld [smem:$0x3F93]  }
0x1a: {  	s8 =	sadd.s32 $0xFFFFE003, lr  }
0x1b: {  	s9 =	sadd.s32 $0xFFFFFEF7, lr;
	s5 =	simm.s32 $0xFFFFFFFF;
	p2 =	slt.u32 s8, $0xFFFFF086  }
0x1c: {  	p1 =	slt.u32 s9, $0xF7A;
	s5 =	simm.s32 @!p2 $0x0  }
0x1d: {  	s5 =	simm.s32 @p1 $0x1;
	p0 =	seq.s32 s7, s2  }
0x1e: {  	s7 =	smul.u32 @!p0 $0xF7A, s2;
	p2 =	seq.s32 @!p0 s5, $0x0  }
0x1f: {  	s9 =	smul.u32 $0xF7A, s1;
	s8 =	simm.s32 @!p0 $0x1BF5;
	p2 =	por !p2, p0  }
0x20: {  	[sflag:s8] =	ssyncset.s32 @!p0 $0xFFFFF086;
	s6 =	sadd.s32 @!p0 s3, s7;
	s7 =	simm.s32 @!p0 $0x108  }
0x21: {  	s3 =	sadd.s32 s3, s9;
	s6 =	sadd.s32 @!p0 $0x88, s6;
	s7 =	simm.s32 @p2 $0x1082  }
0x22: {  	[simem:s7], [sflag:s8] =	dma.local @!p0 [hbm:s6], $0xF7A  }
0x23: {  	s9 =	sor.u32 $0xD0000000, s2;
	s6 =	simm.s32 $0x108;
	_ =	swait.ge @!p0 [sflag:s8], $0x0  }
0x24: {  	s3 =	sadd.s32 $0x88, s3;
	s6 =	simm.s32 @!p1 $0x1082;
	[sflag:s4] =	ssyncset.s32 $0xFFFFF086  }
0x25: {  	[simem:s6], [sflag:s4] =	dma.local [hbm:s3], $0xF7A  }
0x26: {  	[smem:$0x3F93] =	sst s1;
	(tag) =	ssettag s2;
	_ =	strace s9  }
0x27: {  	s1 =	sld [smem:$0x3FA3]  }
0x28: {  	s2 =	sld [smem:$0x3FA4]  }
0x29: {  	s4 =	sld [smem:$0x3FA6]  }
0x2a: {  	p0 =	seq.s32 s5, $0x0;
	s5 =	sld [smem:$0x3FA7]  }
0x2b: {  	s6 =	sld [smem:$0x3FA8]  }
0x2c: {  	s7 =	sld [smem:$0x3FA9]  }
0x2d: {  	s3 =	simm.s32 $0x108;
	s8 =	sld [smem:$0x3FAA]  }
0x2e: {  	s3 =	simm.s32 @!p0 $0x1082;
	s9 =	sld [smem:$0x3FAB]  }
0x2f: {  	lr =	sadd.s32 s0, s3;
	s0 =	sld [smem:$0x3FA2]  }
0x30: {  	s3 =	sld [smem:$0x3FA5]  }
0x31: {  	[smem:$0x3FAE] =	sst s10  }
0x32: {  	s10 =	sld [smem:$0x3FAC];
	_ =	sdelay $0x3  }
0x33: {  	p0 =	seq.s32 s10, $0x1;
	s10 =	sld [smem:$0x3FAE];
	_ =	sdelay $0x3  }
0x34: {  	[smem:$0x3FAE] =	sst s10  }
0x35: {  	s10 =	sld [smem:$0x3FAD];
	_ =	sdelay $0x3  }
0x36: {  	p1 =	seq.s32 s10, $0x1;
	s10 =	sld [smem:$0x3FAE];
	_ =	sdelay $0x3  }
0x37: {  	[smem:$0x3FAE] =	sst s10  }
0x38: {  	s10 =	sld [smem:$0x3FAF]  }
0x39: {  	_ = 	snop;
	(pc) =	sbr.ind lr, $3  }
0x3a: {  	_ = 	snop  }
0x3b: {  	_ = 	snop  }
0x3c: {  	p2 =	seq.s32 s10, $0x1;
	s10 =	sld [smem:$0x3FAE]  }
0x3d: {  	_ =	shalt  }
0x3e: {  	_ =	shalt  }
0x3f: {  	_ =	shalt  }
0x40: {  	_ =	shalt  }
0x41: {  	_ =	shalt  }
0x42: {  	_ =	shalt  }
0x43: {  	_ =	shalt  }
0x44: {  	_ =	shalt  }
0x45: {  	_ =	shalt  }
0x46: {  	_ =	shalt  }
0x47: {  	_ =	shalt  }
0x48: {  	_ =	shalt  }
0x49: {  	_ =	shalt  }
0x4a: {  	_ =	shalt  }
0x4b: {  	_ =	shalt  }
0x4c: {  	_ =	shalt  }
0x4d: {  	_ =	shalt  }
0x4e: {  	_ =	shalt  }
0x4f: {  	_ =	shalt  }
0x50: {  	_ =	shalt  }
0x51: {  	_ =	shalt  }
0x52: {  	_ =	shalt  }
0x53: {  	_ =	shalt  }
0x54: {  	_ =	shalt  }
0x55: {  	_ =	shalt  }
0x56: {  	_ =	shalt  }
0x57: {  	_ =	shalt  }
0x58: {  	_ =	shalt  }
0x59: {  	_ =	shalt  }
0x5a: {  	_ =	shalt  }
0x5b: {  	_ =	shalt  }
0x5c: {  	_ =	shalt  }
0x5d: {  	_ =	shalt  }
0x5e: {  	_ =	shalt  }
0x5f: {  	_ =	shalt  }
0x60: {  	_ =	shalt  }
0x61: {  	_ =	shalt  }
0x62: {  	_ =	shalt  }
0x63: {  	_ =	shalt  }
0x64: {  	_ =	shalt  }
0x65: {  	_ =	shalt  }
0x66: {  	_ =	shalt  }
0x67: {  	_ =	shalt  }
0x68: {  	_ =	shalt  }
0x69: {  	_ =	shalt  }
0x6a: {  	_ =	shalt  }
0x6b: {  	_ =	shalt  }
0x6c: {  	_ =	shalt  }
0x6d: {  	_ =	shalt  }
0x6e: {  	_ =	shalt  }
0x6f: {  	_ =	shalt  }
0x70: {  	_ =	shalt  }
0x71: {  	_ =	shalt  }
0x72: {  	_ =	shalt  }
0x73: {  	_ =	shalt  }
0x74: {  	_ =	shalt  }
0x75: {  	_ =	shalt  }
0x76: {  	_ =	shalt  }
0x77: {  	_ =	shalt  }
0x78: {  	_ =	shalt  }
0x79: {  	_ =	shalt  }
0x7a: {  	_ =	shalt  }
0x7b: {  	_ =	shalt  }
0x7c: {  	_ =	shalt  }
0x7d: {  	_ =	shalt  }
0x7e: {  	_ =	shalt  }
0x7f: {  	_ =	shalt  }
0x80: {  	_ =	shalt  }
0x81: {  	_ =	shalt  }
0x82: {  	_ =	shalt  }
0x83: {  	_ =	shalt  }
0x84: {  	_ =	shalt  }
0x85: {  	_ =	shalt  }
0x86: {  	_ =	shalt  }
0x87: {  	_ =	shalt  }
.Lfunc_end0:
.L_simem_size_0:
called_computation.2_lowered:
.L_overlay_start_0:
0x88: {  	s2 =	sld [smem:$0x3FD9]  }
0x89: {  	s3 =	sld [smem:$0x3FFE];
	_ =	sdelay $0x1  }
0x8a: {  	s1 =	srdreg.scid  }
0x8b: {  	s0 =	sand.u32 $0x1, s1  }
0x8c: {  	s16 =	sshll.u32 s0, $0xA;
	s2 =	sadd.s32 s3, s2  }
0x8d: {  	s2 =	sadd.s32 s2, s16  }
0x8e: {  	[smem:$0x3FBA] =	sst s2  }
0x8f: {  	_ = 	snop  }
0x90: {  	(tm) =	ssettm $0x1  }
0x91: {  	s17 =	sld [smem:$0x3FFB];
	_ =	sdelay $0x3  }
0x92: {  	_ =	strace s17  }
0x93: {  	s2 =	sld [smem:$0x3FFC];
	_ =	sdelay $0x3  }
0x94: {  	_ =	strace s2  }
0x95: {  	s2 =	sld [smem:$0x3FFD];
	_ =	sdelay $0x3  }
0x96: {  	_ =	strace s2  }
0x97: {  	_ =	strace $0x8FFFFFFF  }
0x98: {  	s18 =	sld [smem:$0x3FDB];
	_ =	sdelay $0x1  }
0x99: {  	s19 =	simm.s32 $_scs_section_size  }
0x9a: {  	s4 =	simm.s32 $_size__tile_overlayer_lowered;
	s5 =	simm.s32 $_tile_overlayer_lowered  }
0x9b: {  	s22 =	simm.s32 $0x1BFF;
	s21 =	sshll.u32 s5, $0x1;
	s2 =	sadd.s32 s19, s18  }
0x9c: {  	s6 =	simm.s32 $0x0;
	s20 =	sshll.u32 s4, $0x1;
	s4 =	sadd.s32 s21, s2  }
0x9d: {  	[timem:s6], [sflag:s22] =	dma.local [hbm:s4], s20  }
0x9e: {  	_ =	swait.ge [sflag:s22], s20  }
0x9f: {  	s3 =	ssub.s32 $0x0, s20;
	[sflag:s22] =	ssyncset.done $0x0  }
0xa0: {  	[sflag:s22] =	ssyncadd.s32 s3;
	_ =	sdelay $0x1  }
0xa1: {  	s23 =	simm.s32 $0x1B8B  }
0xa2: {  	_ =	swait.ge [sflag:s23], $0x1  }
0xa3: {  	[sflag:s23] =	ssyncset.done $0x0  }
0xa4: {  	s25 =	simm.s32 $0x1B8E;
	s24 =	sld [smem:$0x3FFE];
	[sflag:s23] =	ssyncadd.s32 $0xFFFFFFFF  }
0xa5: {  	s26 =	simm.s32 $execute0_lowered;
	[smem:$0x3FD2] =	sst s25  }
0xa6: {  	s4 =	sshll.u32 s26, $0x1;
	_ =	strace $0x8000004C;
	[dreg:$0x1] =	wrdreg $0xFFFFFFFF  }
0xa7: {  	s28 =	simm.s32 $_size_execute0_lowered;
	s2 =	sadd.s32 s2, s4;
	[dreg:$0x0] =	wrdreg $0x0  }
0xa8: {  	s4 =	sshll.u32 s28, $0x1;
	[dreg:$0x2] =	wrdreg s2  }
0xa9: {  	[dreg:$0x3] =	wrdreg s4  }
0xaa: {  	[dreg:$0x4] =	wrdreg $0xC0  }
0xab: {  	_ =	task [dreg:s6], $0x5FFFF  }
0xac: {  	[dreg:$0x1] =	wrdreg $0xFFFFFFFF  }
0xad: {  	[dreg:$0x0] =	wrdreg $0x60  }
0xae: {  	[dreg:$0x2] =	wrdreg s24  }
0xaf: {  	[dreg:$0x3] =	wrdreg $0xAF000  }
0xb0: {  	[dreg:$0x4] =	wrdreg $0x9  }
0xb1: {  	_ =	task.clear_ibuf [dreg:s6], $0x5FFFF;
	_ =	strace $0x9000004C  }
0xb2: {  	s29 =	simm.s32 $0x9;
	_ =	strace $0x8000004E  }
0xb3: {  	_ =	swait.ge [sflag:s29], $0x1  }
0xb4: {  	[sflag:s29] =	ssyncadd.s32 $0xFFFFFFFF  }
0xb5: {  	_ =	strace $0x9000004E  }
0xb6: {  	_ =	sfence  }
0xb7: {  	s30 =	sld [smem:$0x0];
	_ =	sdelay $0x2  }
0xb8: {  	s31 =	sshll.u32 s1, $0xD;
	s1 =	sshrl.u32 s1, $0x2  }
0xb9: {  	s3 =	sand.u32 $0x4000, s31;
	s1 =	sadd.s32 s1, s30  }
0xba: {  	s0 =	sor.u32 s3, s0;
	s1 =	sshll.u32 s1, $0x11  }
0xbb: {  	s0 =	sor.u32 s1, s0  }
0xbc: {  	s0 =	sadd.s32 $0x8F2B, s0  }
0xbd: {  	[sflag:s0] =	ssyncadd.remote.s32 $0x1  }
0xbe: {  	_ =	sfence.sel $0xFFFF  }
0xbf: {  	[dreg:$0x0] =	wrdreg $0xFFFFFFFF;
	(pc) =	sbr.abs _section_cstart, $3  }
0xc0: {  	[dreg:$0x1] =	wrdreg $0xFFFFFFFF  }
0xc1: {  	_ =	task.clear_ibuf [dreg:s6], $0x2FFFF;
	_ =	strace $0x9FFFFFFF  }
0xc2: {  	(tm) =	ssettm $0x7FFFFFFF  }
0xc3: {  	_ =	shalt  }
tec
execute0_lowered:
.L_overlay_start_1:
0x0: {  	(tag) =	ssettag $0x1  }
0x1: {  	s8 =	rddreg [dreg:$0x0]  }
0x2: {  	s2 =	rddreg [dreg:$0x1]  }
0x3: {  	s0 =	rddreg [dreg:$0x2]  }
0x4: {  	s3 =	simm.s32 $0x0;
	s4 =	srdreg.scid;
	s1 =	stileid.u32  }
0x5: {  	s16 =	simm.s32 $0x4F00;
	s17 =	simm.s32 $0x6F00;
	s18 =	simm.s32 $0x3  }
0x6: {  	s19 =	simm.s32 $0x8F00;
	s20 =	simm.s32 $0x5;
	s21 =	simm.s32 $0x6  }
0x7: {  	s22 =	simm.s32 $0x4;
	s23 =	simm.s32 $0x2;
	s24 =	simm.s32 $0x1  }
0x8: {  	[smem:$0x7FF] =	sst s3;
	s10 =	sand.u32 $0x1, s4;
	s7 =	smul.u32 $0x2800, s1  }
0x9: {  	s4 =	sadd.s32 $0x10D800, s8;
	s5 =	sadd.s32 $0xCE00, s8;
	s12 =	smul.u32 $0x50000, s1  }
0xa: {  	s6 =	sadd.s32 $0x3000, s8;
	s31 =	sshll.u32 s1, $0x6;
	s9 =	smul.u32 $0x28000, s10  }
0xb: {  	_ =	strace $0x8000004D;
	s11 =	ssub.s32 $0x2, s10;
	s10 =	smul.u32 $0x9E0, s10  }
.Ltmp0:
0xc: {  	s29 =	sshrl.u32 s11, $0x1;
	s30 =	sshrl.u32 s12, $0x2;
	(pc) =	sbr.rel .LBB2_1-.Ltmp0, $4  }
0xd: {  	s9 =	sadd.s32 s7, s9;
	s7 =	sadd.s32 $0x6EC00, s8;
	s14 =	ssub.s32 s11, s29  }
0xe: {  	s15 =	sadd.s32 s30, s2;
	s13 =	sadd.s32 s9, s8;
	s8 =	sor.u32 $0x1C07, s31  }
0xf: {  	s9 =	smul.u32 $0x9E, s1;
	s12 =	smax.u32 s14, $0x1;
	s14 =	simm.s32 $0x7  }
0x10: {  	s11 =	sadd.s32 $0x71400, s13;
	s13 =	sshrl.u32 s15, $0x3;
	s15 =	simm.s32 $0x80  }
.LBB2_10:
0x11: {  	s3 =	sadd.s32 $0x1, s3  }
0x12: {  	p0 =	sne.s32 s3, s12  }
.Ltmp1:
0x13: {  	[bflag:$0x0] =	sbarrier.arrive $0xFFFF;
	(pc) =	sbr.rel @!p0 .LBB2_11-.Ltmp1, $4  }
0x14: {  	[hbm:s11], [sflag:s8] =	dma.local [spmem:s13], $0x2800  }
0x15: {  	_ =	swait.ge [sflag:s14], $0x2800  }
0x16: {  	[sflag:s14] =	ssyncset.done $0x0  }
0x17: {  	[sflag:s14] =	ssyncadd.s32 $0xFFFFD800  }
.LBB2_1:
0x18: {  	[spmem:s13], [sflag:s8] =	dma.local [hbm:s7], $0x2800  }
.Ltmp2:
0x19: {  	_ =	swait.ge [sflag:s14], $0x2800;
	(pc) =	sbr.rel .LBB2_2-.Ltmp2, $4  }
0x1a: {  	[sflag:s14] =	ssyncset.done $0x0  }
0x1b: {  	[sflag:s14] =	ssyncadd.s32 $0xFFFFD800  }
0x1c: {  	[bflag:$0x0] =	sbarrier.arrive $0xFFFF  }
0x1d: {  	p1 =	por $0x1, $0x1;
	s25 =	simm.s32 $0x0  }
.LBB2_9:
0x1e: {  	_ =	swait.ge [sflag:s20], $0x2000  }
0x1f: {  	[sflag:s20] =	ssyncset.done $0x0  }
0x20: {  	[sflag:s20] =	ssyncadd.s32 $0xFFFFE000  }
0x21: {  	_ =	swait.ge [sflag:s21], $0x2000  }
.Ltmp3:
0x22: {  	[sflag:s21] =	ssyncset.done $0x0;
	(pc) =	sbr.rel @!p0 .LBB2_10-.Ltmp3, $4  }
0x23: {  	[sflag:s21] =	ssyncadd.s32 $0xFFFFE000  }
0x24: {  	_ =	swait.ge [sflag:s22], $0x2000  }
0x25: {  	[sflag:s22] =	ssyncset.done $0x0  }
0x26: {  	s25 =	simm.s32 $0x4F;
	p1 =	por $0x0, $0x0;
	[sflag:s22] =	ssyncadd.s32 $0xFFFFE000  }
.LBB2_2:
0x27: {  	s26 =	sadd.s32 s9, s25  }
0x28: {  	s25 =	sadd.s32 s10, s26  }
0x29: {  	s25 =	sshll.u32 s25, $0x4  }
0x2a: {  	s28 =	sadd.s32 s5, s25;
	s25 =	simm.s32 $0x0  }
0x2b: {  	[tilespmem:s25], [sflag:$0x7] =	stream.linear.gather [hbm4b:s28+s25], $0x2780, $0x38;
	[tilespmem:$0x1EF00] =	vst v63  }
0x2c: {  	_ =	swait.ge [sflag:s14], $0x2780  }
0x2d: {  	s26 =	sshll.u32 s26, $0x4;
	[sflag:s14] =	ssyncset.done $0x0  }
0x2e: {  	s28 =	sadd.s32 s6, s26;
	s26 =	simm.s32 $0x2780;
	[sflag:s14] =	ssyncadd.s32 $0xFFFFD880  }
0x2f: {  	[tilespmem:s26], [sflag:$0x7] =	stream.linear.gather [hbm4b:s28+s25], $0x2780, $0x38;
	[tilespmem:$0x1EF00] =	vst v63  }
0x30: {  	_ =	swait.ge [sflag:s14], $0x2780  }
.Ltmp4:
0x31: {  	[sflag:s14] =	ssyncset.done $0x0;
	(pc) =	sbr.rel .LBB2_3-.Ltmp4, $4  }
0x32: {  	[sflag:s14] =	ssyncadd.s32 $0xFFFFD880  }
0x33: {  	[tilespmem:s16], [sflag:$0x1] =	stream.indirect.gather [hbm4b:s4+s15], $0x40, s25, s15, $0xb8;
	[tilespmem:$0x1EF00] =	vst v63  }
0x34: {  	p0 =	por p1, p1;
	s28 =	simm.s32 $0x100  }
0x35: {  	[tilespmem:s17], [sflag:$0x2] =	stream.indirect.gather [hbm4b:s4+s15], $0x40, s15, s15, $0xb8;
	[tilespmem:$0x1EF00] =	vst v63  }
.LBB2_7:
0x36: {  	_ =	swait.ge [sflag:s18], $0x2000  }
0x37: {  	p1 =	sgt.u32 s25, $0x4C;
	[sflag:s18] =	ssyncset.done $0x0  }
0x38: {  	s29 =	simm.s32 @!p1 $0x5;
	[sflag:s18] =	ssyncadd.s32 $0xFFFFE000  }
0x39: {  	[spmem:s2] =	stream.indirect.scatter.add.f32 [tilespmem:s19], [sflag:$0x6], $0x40, s26, s15, $0xb8;
	[tilespmem:$0x1EF00] =	vst v63  }
0x3a: {  	_ =	swait.ge @!p1 [sflag:s29], $0x2000  }
0x3b: {  	[sflag:s29] =	ssyncset.done @!p1 $0x0  }
0x3c: {  	s30 =	simm.s32 @!p1 $0x6F00;
	[sflag:s29] =	ssyncadd.s32 @!p1 $0xFFFFE000;
	s29 =	simm.s32 @!p1 $0x80  }
0x3d: {  	[tilespmem:s30], [sflag:$0x2] =	stream.indirect.gather @!p1 [hbm4b:s4+s29], $0x40, s28, s29, $0xb8;
	[tilespmem:$0x1EF00] =	vst v63  }
.LBB2_8:
0x3e: {  	s25 =	sadd.s32 $0x1, s25  }
0x3f: {  	p1 =	sne.s32 s25, $0x4F  }
.Ltmp5:
0x40: {  	_ = 	snop;
	(pc) =	sbr.rel @!p1 .LBB2_9-.Ltmp5, $2  }
0x41: {  	_ =	sdelay $0x2  }
0x42: {  	s26 =	sadd.s32 $0x80, s26;
	s28 =	sadd.s32 $0x80, s28  }
.LBB2_3:
0x43: {  	s29 =	smul.u32 $0xAB, s25;
	_ =	sdelay $0x1  }
0x44: {  	s29 =	sshrl.u32 s29, $0x9  }
0x45: {  	s29 =	sand.u32 $0x7F, s29  }
0x46: {  	s29 =	smul.u32 $0x3, s29;
	_ =	sdelay $0x1  }
0x47: {  	s29 =	ssub.s32 s25, s29  }
0x48: {  	s29 =	sand.u32 $0xFF, s29  }
0x49: {  	p1 =	seq.s32 s29, $0x2  }
.Ltmp6:
0x4a: {  	_ = 	snop;
	(pc) =	sbr.rel @p1 .LBB2_7-.Ltmp6, $1  }
0x4b: {  	_ =	sdelay $0x3  }
0x4c: {  	p1 =	seq.s32 s29, $0x1  }
.Ltmp7:
0x4d: {  	_ = 	snop;
	(pc) =	sbr.rel @!p1 .LBB2_5-.Ltmp7, $1  }
0x4e: {  	_ =	sdelay $0x3  }
0x4f: {  	_ =	swait.ge [sflag:s23], $0x2000  }
0x50: {  	[sflag:s23] =	ssyncset.done $0x0  }
0x51: {  	p1 =	sgt.u32 s25, $0x4C;
	[sflag:s23] =	ssyncadd.s32 $0xFFFFE000  }
0x52: {  	[spmem:s2] =	stream.indirect.scatter.add.f32 [tilespmem:s17], [sflag:$0x5], $0x40, s26, s15, $0xb8;
	[tilespmem:$0x1EF00] =	vst v63  }
.Ltmp8:
0x53: {  	s29 =	simm.s32 @!p1 $0x4;
	(pc) =	sbr.rel .LBB2_8-.Ltmp8, $4  }
0x54: {  	_ =	swait.ge @!p1 [sflag:s29], $0x2000  }
0x55: {  	[sflag:s29] =	ssyncset.done @!p1 $0x0  }
0x56: {  	s30 =	simm.s32 @!p1 $0x4F00;
	[sflag:s29] =	ssyncadd.s32 @!p1 $0xFFFFE000;
	s29 =	simm.s32 @!p1 $0x80  }
0x57: {  	[tilespmem:s30], [sflag:$0x1] =	stream.indirect.gather @!p1 [hbm4b:s4+s29], $0x40, s28, s29, $0xb8;
	[tilespmem:$0x1EF00] =	vst v63  }
.LBB2_5:
0x58: {  	_ =	swait.ge [sflag:s24], $0x2000;
	p1 =	sgt.u32 s25, $0x4C  }
0x59: {  	[sflag:s24] =	ssyncset.done $0x0;
	p2 =	seq.s32 @!p1 s25, $0x0  }
0x5a: {  	[sflag:s24] =	ssyncadd.s32 $0xFFFFE000;
	p2 =	por p2, p1  }
0x5b: {  	[spmem:s2] =	stream.indirect.scatter.add.f32 [tilespmem:s16], [sflag:$0x4], $0x40, s26, s15, $0xb8;
	[tilespmem:$0x1EF00] =	vst v63  }
.Ltmp9:
0x5c: {  	s29 =	simm.s32 @!p2 $0x6;
	(pc) =	sbr.rel .LBB2_8-.Ltmp9, $4  }
0x5d: {  	_ =	swait.ge @!p2 [sflag:s29], $0x2000  }
0x5e: {  	[sflag:s29] =	ssyncset.done @!p2 $0x0  }
0x5f: {  	s30 =	simm.s32 @!p1 $0x8F00;
	[sflag:s29] =	ssyncadd.s32 @!p2 $0xFFFFE000;
	s29 =	simm.s32 @!p1 $0x80  }
0x60: {  	[tilespmem:s30], [sflag:$0x3] =	stream.indirect.gather @!p1 [hbm4b:s4+s29], $0x40, s28, s29, $0xb8;
	[tilespmem:$0x1EF00] =	vst v63  }
.LBB2_11:
0x61: {  	_ =	sfence.sel $0x180000  }
0x62: {  	[bflag:$0x0] =	sbarrier.arrive $0xFFFF  }
0x63: {  	p0 =	sne.s32 s1, $0x0;
	_ =	strace $0x9000004D  }
0x64: {  	s0 =	sadd.s32 @!p0 $0x100000, s0;
	[bflag:$0x2] =	sbarrier.arrive $0xFFFF  }
0x65: {  	[sflag:s0] =	ssyncadd.tile.s32 @!p0 $0x1;
	_ =	shalt  }
.Lfunc_end2:
_tile_overlayer_lowered:
.L_overlay_start_2:
0x66: {  	(tag) =	ssettag $0x2  }
0x67: {  	s0 =	rddreg [dreg:$0x0];
	s2 =	stileid.u32  }
0x68: {  	s1 =	rddreg [dreg:$0x1];
	p0 =	sne.s32 s2, $0x0  }
0x69: {  	s3 =	rddreg [dreg:$0x2];
	[bflag:$0x3] =	sbarrier.arrive $0xFFFF;
	s2 =	simm.s32 @!p0 $0x1C07  }
0x6a: {  	[timem:s3], [sflag:s2] =	dma.local @!p0 [hbm:s0], s1  }
0x6b: {  	s0 =	simm.s32 @!p0 $0x7  }
0x6c: {  	_ =	swait.ge @!p0 [sflag:s0], s1  }
0x6d: {  	s1 =	ssub.s32 @!p0 $0x0, s1;
	[sflag:s0] =	ssyncset.done @!p0 $0x0  }
0x6e: {  	[sflag:s0] =	ssyncadd.s32 @!p0 s1  }
0x6f: {  	[bflag:$0x3] =	sbarrier.arrive $0xFFFF  }
0x70: {  	_ =	shalt  }

</sc_bundles>
